<compile_context>
chip_gen: v7x
topology: tpu7x:2x2x1
jax: 0.10.2.dev20260603
libtpu: 0.0.44.dev20260713+nightly
codegen_flags: <defaults>
</compile_context>

<pallas_src>
import functools

import jax
import jax.numpy as jnp
from jax import lax
from jax.experimental import pallas as pl
from jax.experimental.pallas import tpu as pltpu
from jax.experimental.pallas import tpu_sc as plsc

VOCAB = 100000
EMBED_DIM = 64
OUTPUT_DIM = 2
BATCH = 4096
SEQ = 200

DP = 16
PACK = 128 // DP
NC, NS = 2, 16
NW = NC * NS
B_PER_W = BATCH // NW
CB = 8
NCH = B_PER_W // CB
ROWS_PER_CHUNK = CB * SEQ
GW = 100
GPC = ROWS_PER_CHUNK // GW
IDX_ROWS = BATCH * SEQ // GW
IDX_PER_W = IDX_ROWS // NW
IDX_PER_CHUNK = IDX_PER_W // NCH
NSLOT = 4


def _proj_body(emb_ref, w_ref, b_ref, out_ref):
    wt = w_ref[...]
    wcols = jnp.concatenate([wt] * PACK, axis=1)
    wtile = jnp.concatenate([wcols] * PACK, axis=0)
    ra = lax.broadcasted_iota(jnp.int32, wtile.shape, 0) // EMBED_DIM
    ca = lax.broadcasted_iota(jnp.int32, wtile.shape, 1) // DP
    w_bd = jnp.where(ra == ca, wtile, 0.0)
    bt = jnp.concatenate([b_ref[...]] * PACK, axis=1)
    acc = jnp.dot(emb_ref[...], w_bd, preferred_element_type=jnp.float32)
    out_ref[...] = (acc + bt) * (1.0 / SEQ)


def _project_table(emb_packed, w_blockdiag, b_tiled):
    blk = 2560
    grid = pl.cdiv(VOCAB // PACK, blk)
    return pl.pallas_call(
        _proj_body,
        grid=(grid,),
        in_specs=[
            pl.BlockSpec((blk, PACK * EMBED_DIM), lambda i: (i, 0)),
            pl.BlockSpec((EMBED_DIM, DP), lambda i: (0, 0)),
            pl.BlockSpec((1, DP), lambda i: (0, 0)),
        ],
        out_specs=pl.BlockSpec((blk, DP * PACK), lambda i: (i, 0)),
        out_shape=jax.ShapeDtypeStruct((VOCAB // PACK, DP * PACK), jnp.float32),
        compiler_params=pltpu.CompilerParams(
            allow_input_fusion=[True, False, False]),
    )(emb_packed, w_blockdiag, b_tiled)


def _sc_body(proj_hbm, text_hbm, out_hbm, idx_v, rows_v, out_v, sem):
    wid = lax.axis_index("s") * NC + lax.axis_index("c")

    def fire(c, slot):
        pltpu.sync_copy(
            text_hbm.at[pl.ds(wid * IDX_PER_W + c * IDX_PER_CHUNK, IDX_PER_CHUNK)],
            idx_v.at[slot])

        def issue(k, carry):
            pltpu.async_copy(
                proj_hbm.at[idx_v.at[slot, k]],
                rows_v.at[slot, pl.ds(k * GW, GW)],
                sem.at[slot],
            )
            return carry

        lax.fori_loop(0, GPC, issue, 0)

    def drain(slot):
        pltpu.make_async_copy(
            proj_hbm.at[pl.ds(0, ROWS_PER_CHUNK)],
            rows_v.at[slot],
            sem.at[slot],
        ).wait()

    def chunk_body(c, carry):
        slot = lax.rem(c, NSLOT)
        drain(slot)

        @pl.when(c + NSLOT - 1 < NCH)
        def _():
            fire(c + NSLOT - 1, lax.rem(c + NSLOT - 1, NSLOT))

        for i in range(CB):
            base = i * SEQ

            def red_body(j, accs):
                o = base + 8 * j
                return tuple(accs[t] + rows_v[slot, o + t] for t in range(8))

            z = jnp.zeros((DP,), jnp.float32)
            accs = lax.fori_loop(0, SEQ // 8, red_body, (z,) * 8)
            s0 = (accs[0] + accs[1]) + (accs[2] + accs[3])
            s1 = (accs[4] + accs[5]) + (accs[6] + accs[7])
            out_v[i] = s0 + s1
        pltpu.sync_copy(out_v, out_hbm.at[pl.ds(wid * B_PER_W + c * CB, CB)])
        return carry

    for p in range(NSLOT - 1):
        fire(p, p)
    lax.fori_loop(0, NCH, chunk_body, 0)


@functools.partial(
    pl.kernel,
    out_type=jax.ShapeDtypeStruct((BATCH, DP), jnp.float32),
    mesh=plsc.VectorSubcoreMesh(core_axis_name="c", subcore_axis_name="s"),
    scratch_types=[
        pltpu.VMEM((NSLOT, IDX_PER_CHUNK, GW), jnp.int32),
        pltpu.VMEM((NSLOT, ROWS_PER_CHUNK, DP), jnp.float32),
        pltpu.VMEM((CB, DP), jnp.float32),
        pltpu.SemaphoreType.DMA((NSLOT,)),
    ],
    compiler_params=pltpu.CompilerParams(use_tc_tiling_on_sc=False),
)
def _sc_pool(proj_hbm, text_hbm, out_hbm, idx_v, rows_v, out_v, sem):
    _sc_body(proj_hbm, text_hbm, out_hbm, idx_v, rows_v, out_v, sem)


def kernel(text, emb_table, fc_w, fc_b):
    wt_pad = jnp.zeros((EMBED_DIM, DP), jnp.float32).at[:, :OUTPUT_DIM].set(fc_w.T)
    b_pad = jnp.zeros((1, DP), jnp.float32).at[0, :OUTPUT_DIM].set(fc_b)
    emb_packed = emb_table.reshape(VOCAB // PACK, PACK * EMBED_DIM)
    proj = _project_table(emb_packed, wt_pad, b_pad).reshape(VOCAB, DP)
    text2d = text.reshape(IDX_ROWS, GW).astype(jnp.int32)
    out = _sc_pool(proj, text2d)
    return out[:, :OUTPUT_DIM]

# --- scband reference (transcript-rebuilt; emitter-appended) ---
"""Pipeline reference for scband-word-avgmodel-19224273617077 (READ-ONLY COPY).

The authoritative reference and input builder live on the scoring server;
editing this copy changes nothing except your own understanding.
"""

import jax, jax.numpy as jnp
import numpy as np

VOCAB = 100000
EMBED_DIM = 64
OUTPUT_DIM = 2
BATCH = 4096
SEQ = 200


def setup_inputs(seed: int = 0) -> dict:
    key = jax.random.key(seed)
    k1, k2, k3 = jax.random.split(key, 3)
    text = jax.random.randint(k1, (BATCH, SEQ), 0, VOCAB, dtype=jnp.int64 if jax.config.jax_enable_x64 else jnp.int32)
    emb_table = jax.random.normal(k2, (VOCAB, EMBED_DIM), dtype=jnp.float32) * 0.02
    fc_w = jax.random.normal(k3, (OUTPUT_DIM, EMBED_DIM), dtype=jnp.float32) * (1.0 / np.sqrt(EMBED_DIM))
    fc_b = jnp.zeros((OUTPUT_DIM,), dtype=jnp.float32)
    return {"text": text, "emb_table": emb_table, "fc_w": fc_w, "fc_b": fc_b}


def reference(text, emb_table, fc_w, fc_b):
    # embedding lookup: [B, L, D]
    embedded = jnp.take(emb_table, text, axis=0)
    # AvgPool2d with kernel (L, 1) over a [B, L, D] tensor == mean over axis 1
    pooled = jnp.mean(embedded, axis=1)
    # linear layer
    output = pooled @ fc_w.T + fc_b
    return output

if __name__ == "__main__":
    import jax
    _d = setup_inputs()
    print(jax.jit(kernel)(*tuple(_d.values())))

</pallas_src>

<mosaic_0001>
#map = affine_map<(d0, d1) -> (0, 0)>
module attributes {stable_mosaic.version = 14 : i64} {
  func.func @_sc_pool(%arg0: i32, %arg1: i32, %arg2: memref<100000x16xf32, #tpu.memory_space<hbm>>, %arg3: memref<8192x100xi32, #tpu.memory_space<hbm>>, %arg4: memref<4096x16xf32, #tpu.memory_space<hbm>>, %arg5: memref<4x16x100xi32, #tpu.memory_space<vmem>>, %arg6: memref<4x1600x16xf32, #tpu.memory_space<vmem>>, %arg7: memref<8x16xf32, #tpu.memory_space<vmem>>, %arg8: memref<4x!tpu.dma_semaphore, #tpu.memory_space<semaphore_mem>>) attributes {dimension_semantics = [#tpu.dimension_semantics<core_parallel>, #tpu.dimension_semantics<subcore_parallel>], iteration_bounds = array<i64: 2, 16>, scalar_prefetch = 0 : i64, scratch_operands = 4 : i64, tpu.core_type = #tpu.core_type<sc_vector_subcore>, window_params = [{transform_indices = #map}, {transform_indices = #map}, {transform_indices = #map}]} {
    %mul3A = arith.constant 2 : i32
    %mul3A_0 = arith.muli %arg1, %mul3A : i32
    %add3A = arith.addi %mul3A_0, %arg0 : i32
    %mul3A_1 = arith.constant 256 : i32
    %mul3A_2 = arith.muli %add3A, %mul3A_1 : i32
    %add3A_3 = arith.constant 0 : i32
    %add3A_4 = arith.addi %mul3A_2, %add3A_3 : i32
    %run_scoped3A = arith.constant 0 : i32
    "tpu.region"() ({
      %run_scoped3A_38 = tpu.sem_alloc : memref<!tpu.dma_semaphore, #tpu.memory_space<semaphore_mem>>
      %dma_start3A = arith.constant 0 : i32
      %dma_start3A_39 = arith.constant 0 : i32
      %dma_start3A_40 = tpu.memref_slice %arg5[%run_scoped3A, %dma_start3A, %dma_start3A_39] : memref<4x16x100xi32, #tpu.memory_space<vmem>> -> memref<1x16x100xi32, #tpu.memory_space<vmem>>
      %dma_start3A_41 = tpu.memref_squeeze %dma_start3A_40 : memref<1x16x100xi32, #tpu.memory_space<vmem>> -> memref<16x100xi32, #tpu.memory_space<vmem>>
      %dma_start3A_42 = arith.constant 0 : i32
      %dma_start3A_43 = tpu.memref_slice %arg3[%add3A_4, %dma_start3A_42] : memref<8192x100xi32, #tpu.memory_space<hbm>> -> memref<16x100xi32, #tpu.memory_space<hbm>>
      %dma_start3A_44 = arith.constant 0 : i32
      %dma_start3A_45 = arith.constant 0 : i32
      %dma_start3A_46 = tpu.memref_slice %arg5[%run_scoped3A, %dma_start3A_44, %dma_start3A_45] : memref<4x16x100xi32, #tpu.memory_space<vmem>> -> memref<1x16x100xi32, #tpu.memory_space<vmem>>
      %dma_start3A_47 = tpu.memref_squeeze %dma_start3A_46 : memref<1x16x100xi32, #tpu.memory_space<vmem>> -> memref<16x100xi32, #tpu.memory_space<vmem>>
      %dma_start3A_48 = arith.constant 0 : i32
      %dma_start3A_49 = tpu.memref_slice %arg3[%add3A_4, %dma_start3A_48] : memref<8192x100xi32, #tpu.memory_space<hbm>> -> memref<16x100xi32, #tpu.memory_space<hbm>>
      tpu.enqueue_dma source(%dma_start3A_49 : memref<16x100xi32, #tpu.memory_space<hbm>>) target(%dma_start3A_47 : memref<16x100xi32, #tpu.memory_space<vmem>>) target_semaphore(%run_scoped3A_38 : memref<!tpu.dma_semaphore, #tpu.memory_space<semaphore_mem>>)
      %dma_wait3A = arith.constant 0 : i32
      %dma_wait3A_50 = arith.constant 0 : i32
      %dma_wait3A_51 = tpu.memref_slice %arg5[%run_scoped3A, %dma_wait3A, %dma_wait3A_50] : memref<4x16x100xi32, #tpu.memory_space<vmem>> -> memref<1x16x100xi32, #tpu.memory_space<vmem>>
      %dma_wait3A_52 = tpu.memref_squeeze %dma_wait3A_51 : memref<1x16x100xi32, #tpu.memory_space<vmem>> -> memref<16x100xi32, #tpu.memory_space<vmem>>
      %dma_wait3A_53 = arith.constant 0 : i32
      %dma_wait3A_54 = tpu.memref_slice %arg3[%add3A_4, %dma_wait3A_53] : memref<8192x100xi32, #tpu.memory_space<hbm>> -> memref<16x100xi32, #tpu.memory_space<hbm>>
      %dma_wait3A_55 = arith.constant 0 : i32
      %dma_wait3A_56 = arith.constant 0 : i32
      %dma_wait3A_57 = tpu.memref_slice %arg5[%run_scoped3A, %dma_wait3A_55, %dma_wait3A_56] : memref<4x16x100xi32, #tpu.memory_space<vmem>> -> memref<1x16x100xi32, #tpu.memory_space<vmem>>
      %dma_wait3A_58 = tpu.memref_squeeze %dma_wait3A_57 : memref<1x16x100xi32, #tpu.memory_space<vmem>> -> memref<16x100xi32, #tpu.memory_space<vmem>>
      %dma_wait3A_59 = arith.constant 0 : i32
      %dma_wait3A_60 = tpu.memref_slice %arg3[%add3A_4, %dma_wait3A_59] : memref<8192x100xi32, #tpu.memory_space<hbm>> -> memref<16x100xi32, #tpu.memory_space<hbm>>
      tpu.wait_dma2 semaphore(%run_scoped3A_38 : memref<!tpu.dma_semaphore, #tpu.memory_space<semaphore_mem>>) src(%dma_wait3A_60 : memref<16x100xi32, #tpu.memory_space<hbm>>) dst(%dma_wait3A_58 : memref<16x100xi32, #tpu.memory_space<vmem>>)
      tpu.yield
    }) : () -> ()
    %scan3A = arith.constant 0 : i32
    %scan3A_5 = arith.constant 0 : i32
    %scan3A_6 = arith.constant 16 : i32
    %scan3A_7 = arith.addi %scan3A_5, %scan3A_6 : i32
    %scan3A_8 = arith.constant 1 : i32
    scf.for %scan3A_38 = %scan3A_5 to %scan3A_7 step %scan3A_8  : i32 {
      %mul3A_39 = arith.constant 100 : i32
      %mul3A_40 = arith.muli %scan3A_38, %mul3A_39 : i32
      %dma_start3A = arith.constant 0 : i32
      %dma_start3A_41 = arith.constant 0 : i32
      %dma_start3A_42 = arith.constant 0 : i32
      %dma_start3A_43 = arith.constant 0 : i32
      %dma_start3A_44 = tpu.memref_slice %arg6[%dma_start3A_41, %mul3A_40, %dma_start3A_43] : memref<4x1600x16xf32, #tpu.memory_space<vmem>> -> memref<1x100x16xf32, #tpu.memory_space<vmem>>
      %dma_start3A_45 = tpu.memref_squeeze %dma_start3A_44 : memref<1x100x16xf32, #tpu.memory_space<vmem>> -> memref<100x16xf32, #tpu.memory_space<vmem>>
      %dma_start3A_46 = arith.constant 0 : i32
      %dma_start3A_47 = tpu.memref_slice %arg5[%dma_start3A, %scan3A_38, %dma_start3A_46] : memref<4x16x100xi32, #tpu.memory_space<vmem>> -> memref<1x1x100xi32, #tpu.memory_space<vmem>>
      %dma_start3A_48 = tpu.memref_squeeze %dma_start3A_47 : memref<1x1x100xi32, #tpu.memory_space<vmem>> -> memref<100xi32, #tpu.memory_space<vmem>>
      %dma_start3A_49 = arith.constant 0 : i32
      %dma_start3A_50 = arith.constant 0 : i32
      %dma_start3A_51 = tpu.memref_slice %arg2[%dma_start3A_49, %dma_start3A_50] : memref<100000x16xf32, #tpu.memory_space<hbm>> -> memref<100000x16xf32, #tpu.memory_space<hbm>>
      %dma_start3A_52 = tpu.memref_slice %arg8[%dma_start3A_42] : memref<4x!tpu.dma_semaphore, #tpu.memory_space<semaphore_mem>> -> memref<1x!tpu.dma_semaphore, #tpu.memory_space<semaphore_mem>>
      %dma_start3A_53 = tpu.memref_squeeze %dma_start3A_52 : memref<1x!tpu.dma_semaphore, #tpu.memory_space<semaphore_mem>> -> memref<!tpu.dma_semaphore, #tpu.memory_space<semaphore_mem>>
      tpu.enqueue_indirect_dma source(%dma_start3A_51 : memref<100000x16xf32, #tpu.memory_space<hbm>>) target(%dma_start3A_45 : memref<100x16xf32, #tpu.memory_space<vmem>>) offsets(%dma_start3A_48 : memref<100xi32, #tpu.memory_space<vmem>>) semaphore(%dma_start3A_53 : memref<!tpu.dma_semaphore, #tpu.memory_space<semaphore_mem>>)
    }
    %scan3A_9 = arith.constant 16 : i32
    %mul3A_10 = arith.constant 256 : i32
    %mul3A_11 = arith.muli %add3A, %mul3A_10 : i32
    %add3A_12 = arith.constant 16 : i32
    %add3A_13 = arith.addi %mul3A_11, %add3A_12 : i32
    %run_scoped3A_14 = arith.constant 1 : i32
    "tpu.region"() ({
      %run_scoped3A_38 = tpu.sem_alloc : memref<!tpu.dma_semaphore, #tpu.memory_space<semaphore_mem>>
      %dma_start3A = arith.constant 0 : i32
      %dma_start3A_39 = arith.constant 0 : i32
      %dma_start3A_40 = tpu.memref_slice %arg5[%run_scoped3A_14, %dma_start3A, %dma_start3A_39] : memref<4x16x100xi32, #tpu.memory_space<vmem>> -> memref<1x16x100xi32, #tpu.memory_space<vmem>>
      %dma_start3A_41 = tpu.memref_squeeze %dma_start3A_40 : memref<1x16x100xi32, #tpu.memory_space<vmem>> -> memref<16x100xi32, #tpu.memory_space<vmem>>
      %dma_start3A_42 = arith.constant 0 : i32
      %dma_start3A_43 = tpu.memref_slice %arg3[%add3A_13, %dma_start3A_42] : memref<8192x100xi32, #tpu.memory_space<hbm>> -> memref<16x100xi32, #tpu.memory_space<hbm>>
      %dma_start3A_44 = arith.constant 0 : i32
      %dma_start3A_45 = arith.constant 0 : i32
      %dma_start3A_46 = tpu.memref_slice %arg5[%run_scoped3A_14, %dma_start3A_44, %dma_start3A_45] : memref<4x16x100xi32, #tpu.memory_space<vmem>> -> memref<1x16x100xi32, #tpu.memory_space<vmem>>
      %dma_start3A_47 = tpu.memref_squeeze %dma_start3A_46 : memref<1x16x100xi32, #tpu.memory_space<vmem>> -> memref<16x100xi32, #tpu.memory_space<vmem>>
      %dma_start3A_48 = arith.constant 0 : i32
      %dma_start3A_49 = tpu.memref_slice %arg3[%add3A_13, %dma_start3A_48] : memref<8192x100xi32, #tpu.memory_space<hbm>> -> memref<16x100xi32, #tpu.memory_space<hbm>>
      tpu.enqueue_dma source(%dma_start3A_49 : memref<16x100xi32, #tpu.memory_space<hbm>>) target(%dma_start3A_47 : memref<16x100xi32, #tpu.memory_space<vmem>>) target_semaphore(%run_scoped3A_38 : memref<!tpu.dma_semaphore, #tpu.memory_space<semaphore_mem>>)
      %dma_wait3A = arith.constant 0 : i32
      %dma_wait3A_50 = arith.constant 0 : i32
      %dma_wait3A_51 = tpu.memref_slice %arg5[%run_scoped3A_14, %dma_wait3A, %dma_wait3A_50] : memref<4x16x100xi32, #tpu.memory_space<vmem>> -> memref<1x16x100xi32, #tpu.memory_space<vmem>>
      %dma_wait3A_52 = tpu.memref_squeeze %dma_wait3A_51 : memref<1x16x100xi32, #tpu.memory_space<vmem>> -> memref<16x100xi32, #tpu.memory_space<vmem>>
      %dma_wait3A_53 = arith.constant 0 : i32
      %dma_wait3A_54 = tpu.memref_slice %arg3[%add3A_13, %dma_wait3A_53] : memref<8192x100xi32, #tpu.memory_space<hbm>> -> memref<16x100xi32, #tpu.memory_space<hbm>>
      %dma_wait3A_55 = arith.constant 0 : i32
      %dma_wait3A_56 = arith.constant 0 : i32
      %dma_wait3A_57 = tpu.memref_slice %arg5[%run_scoped3A_14, %dma_wait3A_55, %dma_wait3A_56] : memref<4x16x100xi32, #tpu.memory_space<vmem>> -> memref<1x16x100xi32, #tpu.memory_space<vmem>>
      %dma_wait3A_58 = tpu.memref_squeeze %dma_wait3A_57 : memref<1x16x100xi32, #tpu.memory_space<vmem>> -> memref<16x100xi32, #tpu.memory_space<vmem>>
      %dma_wait3A_59 = arith.constant 0 : i32
      %dma_wait3A_60 = tpu.memref_slice %arg3[%add3A_13, %dma_wait3A_59] : memref<8192x100xi32, #tpu.memory_space<hbm>> -> memref<16x100xi32, #tpu.memory_space<hbm>>
      tpu.wait_dma2 semaphore(%run_scoped3A_38 : memref<!tpu.dma_semaphore, #tpu.memory_space<semaphore_mem>>) src(%dma_wait3A_60 : memref<16x100xi32, #tpu.memory_space<hbm>>) dst(%dma_wait3A_58 : memref<16x100xi32, #tpu.memory_space<vmem>>)
      tpu.yield
    }) : () -> ()
    %scan3A_15 = arith.constant 0 : i32
    %scan3A_16 = arith.constant 0 : i32
    %scan3A_17 = arith.constant 16 : i32
    %scan3A_18 = arith.addi %scan3A_16, %scan3A_17 : i32
    %scan3A_19 = arith.constant 1 : i32
    scf.for %scan3A_38 = %scan3A_16 to %scan3A_18 step %scan3A_19  : i32 {
      %mul3A_39 = arith.constant 100 : i32
      %mul3A_40 = arith.muli %scan3A_38, %mul3A_39 : i32
      %dma_start3A = arith.constant 1 : i32
      %dma_start3A_41 = arith.constant 1 : i32
      %dma_start3A_42 = arith.constant 1 : i32
      %dma_start3A_43 = arith.constant 0 : i32
      %dma_start3A_44 = tpu.memref_slice %arg6[%dma_start3A_41, %mul3A_40, %dma_start3A_43] : memref<4x1600x16xf32, #tpu.memory_space<vmem>> -> memref<1x100x16xf32, #tpu.memory_space<vmem>>
      %dma_start3A_45 = tpu.memref_squeeze %dma_start3A_44 : memref<1x100x16xf32, #tpu.memory_space<vmem>> -> memref<100x16xf32, #tpu.memory_space<vmem>>
      %dma_start3A_46 = arith.constant 0 : i32
      %dma_start3A_47 = tpu.memref_slice %arg5[%dma_start3A, %scan3A_38, %dma_start3A_46] : memref<4x16x100xi32, #tpu.memory_space<vmem>> -> memref<1x1x100xi32, #tpu.memory_space<vmem>>
      %dma_start3A_48 = tpu.memref_squeeze %dma_start3A_47 : memref<1x1x100xi32, #tpu.memory_space<vmem>> -> memref<100xi32, #tpu.memory_space<vmem>>
      %dma_start3A_49 = arith.constant 0 : i32
      %dma_start3A_50 = arith.constant 0 : i32
      %dma_start3A_51 = tpu.memref_slice %arg2[%dma_start3A_49, %dma_start3A_50] : memref<100000x16xf32, #tpu.memory_space<hbm>> -> memref<100000x16xf32, #tpu.memory_space<hbm>>
      %dma_start3A_52 = tpu.memref_slice %arg8[%dma_start3A_42] : memref<4x!tpu.dma_semaphore, #tpu.memory_space<semaphore_mem>> -> memref<1x!tpu.dma_semaphore, #tpu.memory_space<semaphore_mem>>
      %dma_start3A_53 = tpu.memref_squeeze %dma_start3A_52 : memref<1x!tpu.dma_semaphore, #tpu.memory_space<semaphore_mem>> -> memref<!tpu.dma_semaphore, #tpu.memory_space<semaphore_mem>>
      tpu.enqueue_indirect_dma source(%dma_start3A_51 : memref<100000x16xf32, #tpu.memory_space<hbm>>) target(%dma_start3A_45 : memref<100x16xf32, #tpu.memory_space<vmem>>) offsets(%dma_start3A_48 : memref<100xi32, #tpu.memory_space<vmem>>) semaphore(%dma_start3A_53 : memref<!tpu.dma_semaphore, #tpu.memory_space<semaphore_mem>>)
    }
    %scan3A_20 = arith.constant 16 : i32
    %mul3A_21 = arith.constant 256 : i32
    %mul3A_22 = arith.muli %add3A, %mul3A_21 : i32
    %add3A_23 = arith.constant 32 : i32
    %add3A_24 = arith.addi %mul3A_22, %add3A_23 : i32
    %run_scoped3A_25 = arith.constant 2 : i32
    "tpu.region"() ({
      %run_scoped3A_38 = tpu.sem_alloc : memref<!tpu.dma_semaphore, #tpu.memory_space<semaphore_mem>>
      %dma_start3A = arith.constant 0 : i32
      %dma_start3A_39 = arith.constant 0 : i32
      %dma_start3A_40 = tpu.memref_slice %arg5[%run_scoped3A_25, %dma_start3A, %dma_start3A_39] : memref<4x16x100xi32, #tpu.memory_space<vmem>> -> memref<1x16x100xi32, #tpu.memory_space<vmem>>
      %dma_start3A_41 = tpu.memref_squeeze %dma_start3A_40 : memref<1x16x100xi32, #tpu.memory_space<vmem>> -> memref<16x100xi32, #tpu.memory_space<vmem>>
      %dma_start3A_42 = arith.constant 0 : i32
      %dma_start3A_43 = tpu.memref_slice %arg3[%add3A_24, %dma_start3A_42] : memref<8192x100xi32, #tpu.memory_space<hbm>> -> memref<16x100xi32, #tpu.memory_space<hbm>>
      %dma_start3A_44 = arith.constant 0 : i32
      %dma_start3A_45 = arith.constant 0 : i32
      %dma_start3A_46 = tpu.memref_slice %arg5[%run_scoped3A_25, %dma_start3A_44, %dma_start3A_45] : memref<4x16x100xi32, #tpu.memory_space<vmem>> -> memref<1x16x100xi32, #tpu.memory_space<vmem>>
      %dma_start3A_47 = tpu.memref_squeeze %dma_start3A_46 : memref<1x16x100xi32, #tpu.memory_space<vmem>> -> memref<16x100xi32, #tpu.memory_space<vmem>>
      %dma_start3A_48 = arith.constant 0 : i32
      %dma_start3A_49 = tpu.memref_slice %arg3[%add3A_24, %dma_start3A_48] : memref<8192x100xi32, #tpu.memory_space<hbm>> -> memref<16x100xi32, #tpu.memory_space<hbm>>
      tpu.enqueue_dma source(%dma_start3A_49 : memref<16x100xi32, #tpu.memory_space<hbm>>) target(%dma_start3A_47 : memref<16x100xi32, #tpu.memory_space<vmem>>) target_semaphore(%run_scoped3A_38 : memref<!tpu.dma_semaphore, #tpu.memory_space<semaphore_mem>>)
      %dma_wait3A = arith.constant 0 : i32
      %dma_wait3A_50 = arith.constant 0 : i32
      %dma_wait3A_51 = tpu.memref_slice %arg5[%run_scoped3A_25, %dma_wait3A, %dma_wait3A_50] : memref<4x16x100xi32, #tpu.memory_space<vmem>> -> memref<1x16x100xi32, #tpu.memory_space<vmem>>
      %dma_wait3A_52 = tpu.memref_squeeze %dma_wait3A_51 : memref<1x16x100xi32, #tpu.memory_space<vmem>> -> memref<16x100xi32, #tpu.memory_space<vmem>>
      %dma_wait3A_53 = arith.constant 0 : i32
      %dma_wait3A_54 = tpu.memref_slice %arg3[%add3A_24, %dma_wait3A_53] : memref<8192x100xi32, #tpu.memory_space<hbm>> -> memref<16x100xi32, #tpu.memory_space<hbm>>
      %dma_wait3A_55 = arith.constant 0 : i32
      %dma_wait3A_56 = arith.constant 0 : i32
      %dma_wait3A_57 = tpu.memref_slice %arg5[%run_scoped3A_25, %dma_wait3A_55, %dma_wait3A_56] : memref<4x16x100xi32, #tpu.memory_space<vmem>> -> memref<1x16x100xi32, #tpu.memory_space<vmem>>
      %dma_wait3A_58 = tpu.memref_squeeze %dma_wait3A_57 : memref<1x16x100xi32, #tpu.memory_space<vmem>> -> memref<16x100xi32, #tpu.memory_space<vmem>>
      %dma_wait3A_59 = arith.constant 0 : i32
      %dma_wait3A_60 = tpu.memref_slice %arg3[%add3A_24, %dma_wait3A_59] : memref<8192x100xi32, #tpu.memory_space<hbm>> -> memref<16x100xi32, #tpu.memory_space<hbm>>
      tpu.wait_dma2 semaphore(%run_scoped3A_38 : memref<!tpu.dma_semaphore, #tpu.memory_space<semaphore_mem>>) src(%dma_wait3A_60 : memref<16x100xi32, #tpu.memory_space<hbm>>) dst(%dma_wait3A_58 : memref<16x100xi32, #tpu.memory_space<vmem>>)
      tpu.yield
    }) : () -> ()
    %scan3A_26 = arith.constant 0 : i32
    %scan3A_27 = arith.constant 0 : i32
    %scan3A_28 = arith.constant 16 : i32
    %scan3A_29 = arith.addi %scan3A_27, %scan3A_28 : i32
    %scan3A_30 = arith.constant 1 : i32
    scf.for %scan3A_38 = %scan3A_27 to %scan3A_29 step %scan3A_30  : i32 {
      %mul3A_39 = arith.constant 100 : i32
      %mul3A_40 = arith.muli %scan3A_38, %mul3A_39 : i32
      %dma_start3A = arith.constant 2 : i32
      %dma_start3A_41 = arith.constant 2 : i32
      %dma_start3A_42 = arith.constant 2 : i32
      %dma_start3A_43 = arith.constant 0 : i32
      %dma_start3A_44 = tpu.memref_slice %arg6[%dma_start3A_41, %mul3A_40, %dma_start3A_43] : memref<4x1600x16xf32, #tpu.memory_space<vmem>> -> memref<1x100x16xf32, #tpu.memory_space<vmem>>
      %dma_start3A_45 = tpu.memref_squeeze %dma_start3A_44 : memref<1x100x16xf32, #tpu.memory_space<vmem>> -> memref<100x16xf32, #tpu.memory_space<vmem>>
      %dma_start3A_46 = arith.constant 0 : i32
      %dma_start3A_47 = tpu.memref_slice %arg5[%dma_start3A, %scan3A_38, %dma_start3A_46] : memref<4x16x100xi32, #tpu.memory_space<vmem>> -> memref<1x1x100xi32, #tpu.memory_space<vmem>>
      %dma_start3A_48 = tpu.memref_squeeze %dma_start3A_47 : memref<1x1x100xi32, #tpu.memory_space<vmem>> -> memref<100xi32, #tpu.memory_space<vmem>>
      %dma_start3A_49 = arith.constant 0 : i32
      %dma_start3A_50 = arith.constant 0 : i32
      %dma_start3A_51 = tpu.memref_slice %arg2[%dma_start3A_49, %dma_start3A_50] : memref<100000x16xf32, #tpu.memory_space<hbm>> -> memref<100000x16xf32, #tpu.memory_space<hbm>>
      %dma_start3A_52 = tpu.memref_slice %arg8[%dma_start3A_42] : memref<4x!tpu.dma_semaphore, #tpu.memory_space<semaphore_mem>> -> memref<1x!tpu.dma_semaphore, #tpu.memory_space<semaphore_mem>>
      %dma_start3A_53 = tpu.memref_squeeze %dma_start3A_52 : memref<1x!tpu.dma_semaphore, #tpu.memory_space<semaphore_mem>> -> memref<!tpu.dma_semaphore, #tpu.memory_space<semaphore_mem>>
      tpu.enqueue_indirect_dma source(%dma_start3A_51 : memref<100000x16xf32, #tpu.memory_space<hbm>>) target(%dma_start3A_45 : memref<100x16xf32, #tpu.memory_space<vmem>>) offsets(%dma_start3A_48 : memref<100xi32, #tpu.memory_space<vmem>>) semaphore(%dma_start3A_53 : memref<!tpu.dma_semaphore, #tpu.memory_space<semaphore_mem>>)
    }
    %scan3A_31 = arith.constant 16 : i32
    %scan3A_32 = arith.constant 0 : i32
    %scan3A_33 = arith.constant 0 : i32
    %scan3A_34 = arith.constant 16 : i32
    %scan3A_35 = arith.addi %scan3A_33, %scan3A_34 : i32
    %scan3A_36 = arith.constant 1 : i32
    scf.for %scan3A_38 = %scan3A_33 to %scan3A_35 step %scan3A_36  : i32 {
      %rem3A = arith.constant 4 : i32
      %rem3A_39 = arith.remsi %scan3A_38, %rem3A : i32
      %dma_wait3A = arith.constant 0 : i32
      %dma_wait3A_40 = arith.constant 0 : i32
      %dma_wait3A_41 = tpu.memref_slice %arg6[%rem3A_39, %dma_wait3A, %dma_wait3A_40] : memref<4x1600x16xf32, #tpu.memory_space<vmem>> -> memref<1x1600x16xf32, #tpu.memory_space<vmem>>
      %dma_wait3A_42 = tpu.memref_squeeze %dma_wait3A_41 : memref<1x1600x16xf32, #tpu.memory_space<vmem>> -> memref<1600x16xf32, #tpu.memory_space<vmem>>
      %dma_wait3A_43 = arith.constant 0 : i32
      %dma_wait3A_44 = arith.constant 0 : i32
      %dma_wait3A_45 = tpu.memref_slice %arg2[%dma_wait3A_43, %dma_wait3A_44] : memref<100000x16xf32, #tpu.memory_space<hbm>> -> memref<1600x16xf32, #tpu.memory_space<hbm>>
      %dma_wait3A_46 = tpu.memref_slice %arg8[%rem3A_39] : memref<4x!tpu.dma_semaphore, #tpu.memory_space<semaphore_mem>> -> memref<1x!tpu.dma_semaphore, #tpu.memory_space<semaphore_mem>>
      %dma_wait3A_47 = tpu.memref_squeeze %dma_wait3A_46 : memref<1x!tpu.dma_semaphore, #tpu.memory_space<semaphore_mem>> -> memref<!tpu.dma_semaphore, #tpu.memory_space<semaphore_mem>>
      %dma_wait3A_48 = arith.constant 0 : i32
      %dma_wait3A_49 = arith.constant 0 : i32
      %dma_wait3A_50 = tpu.memref_slice %arg6[%rem3A_39, %dma_wait3A_48, %dma_wait3A_49] : memref<4x1600x16xf32, #tpu.memory_space<vmem>> -> memref<1x1600x16xf32, #tpu.memory_space<vmem>>
      %dma_wait3A_51 = tpu.memref_squeeze %dma_wait3A_50 : memref<1x1600x16xf32, #tpu.memory_space<vmem>> -> memref<1600x16xf32, #tpu.memory_space<vmem>>
      %dma_wait3A_52 = arith.constant 0 : i32
      %dma_wait3A_53 = arith.constant 0 : i32
      %dma_wait3A_54 = tpu.memref_slice %arg2[%dma_wait3A_52, %dma_wait3A_53] : memref<100000x16xf32, #tpu.memory_space<hbm>> -> memref<1600x16xf32, #tpu.memory_space<hbm>>
      tpu.wait_dma2 semaphore(%dma_wait3A_47 : memref<!tpu.dma_semaphore, #tpu.memory_space<semaphore_mem>>) src(%dma_wait3A_54 : memref<1600x16xf32, #tpu.memory_space<hbm>>) dst(%dma_wait3A_51 : memref<1600x16xf32, #tpu.memory_space<vmem>>)
      %add3A_55 = arith.constant 4 : i32
      %add3A_56 = arith.addi %scan3A_38, %add3A_55 : i32
      %sub3A = arith.constant 1 : i32
      %sub3A_57 = arith.subi %add3A_56, %sub3A : i32
      %lt3A = arith.constant 16 : i32
      %lt3A_58 = arith.cmpi slt, %sub3A_57, %lt3A : i32
      %convert_element_type3A = arith.extui %lt3A_58 : i1 to i32
      %cond3A = arith.constant 0 : i32
      %cond3A_59 = arith.cmpi ne, %convert_element_type3A, %cond3A : i32
      scf.if %cond3A_59 {
        %add3A_231 = arith.constant 4 : i32
        %add3A_232 = arith.addi %scan3A_38, %add3A_231 : i32
        %sub3A_233 = arith.constant 1 : i32
        %sub3A_234 = arith.subi %add3A_232, %sub3A_233 : i32
        %add3A_235 = arith.constant 4 : i32
        %add3A_236 = arith.addi %scan3A_38, %add3A_235 : i32
        %sub3A_237 = arith.constant 1 : i32
        %sub3A_238 = arith.subi %add3A_236, %sub3A_237 : i32
        %rem3A_239 = arith.constant 4 : i32
        %rem3A_240 = arith.remsi %sub3A_238, %rem3A_239 : i32
        %mul3A_241 = arith.constant 256 : i32
        %mul3A_242 = arith.muli %add3A, %mul3A_241 : i32
        %mul3A_243 = arith.constant 16 : i32
        %mul3A_244 = arith.muli %sub3A_234, %mul3A_243 : i32
        %add3A_245 = arith.addi %mul3A_242, %mul3A_244 : i32
        "tpu.region"() ({
          %run_scoped3A_252 = tpu.sem_alloc : memref<!tpu.dma_semaphore, #tpu.memory_space<semaphore_mem>>
          %dma_start3A = arith.constant 0 : i32
          %dma_start3A_253 = arith.constant 0 : i32
          %dma_start3A_254 = tpu.memref_slice %arg5[%rem3A_240, %dma_start3A, %dma_start3A_253] : memref<4x16x100xi32, #tpu.memory_space<vmem>> -> memref<1x16x100xi32, #tpu.memory_space<vmem>>
          %dma_start3A_255 = tpu.memref_squeeze %dma_start3A_254 : memref<1x16x100xi32, #tpu.memory_space<vmem>> -> memref<16x100xi32, #tpu.memory_space<vmem>>
          %dma_start3A_256 = arith.constant 0 : i32
          %dma_start3A_257 = tpu.memref_slice %arg3[%add3A_245, %dma_start3A_256] : memref<8192x100xi32, #tpu.memory_space<hbm>> -> memref<16x100xi32, #tpu.memory_space<hbm>>
          %dma_start3A_258 = arith.constant 0 : i32
          %dma_start3A_259 = arith.constant 0 : i32
          %dma_start3A_260 = tpu.memref_slice %arg5[%rem3A_240, %dma_start3A_258, %dma_start3A_259] : memref<4x16x100xi32, #tpu.memory_space<vmem>> -> memref<1x16x100xi32, #tpu.memory_space<vmem>>
          %dma_start3A_261 = tpu.memref_squeeze %dma_start3A_260 : memref<1x16x100xi32, #tpu.memory_space<vmem>> -> memref<16x100xi32, #tpu.memory_space<vmem>>
          %dma_start3A_262 = arith.constant 0 : i32
          %dma_start3A_263 = tpu.memref_slice %arg3[%add3A_245, %dma_start3A_262] : memref<8192x100xi32, #tpu.memory_space<hbm>> -> memref<16x100xi32, #tpu.memory_space<hbm>>
          tpu.enqueue_dma source(%dma_start3A_263 : memref<16x100xi32, #tpu.memory_space<hbm>>) target(%dma_start3A_261 : memref<16x100xi32, #tpu.memory_space<vmem>>) target_semaphore(%run_scoped3A_252 : memref<!tpu.dma_semaphore, #tpu.memory_space<semaphore_mem>>)
          %dma_wait3A_264 = arith.constant 0 : i32
          %dma_wait3A_265 = arith.constant 0 : i32
          %dma_wait3A_266 = tpu.memref_slice %arg5[%rem3A_240, %dma_wait3A_264, %dma_wait3A_265] : memref<4x16x100xi32, #tpu.memory_space<vmem>> -> memref<1x16x100xi32, #tpu.memory_space<vmem>>
          %dma_wait3A_267 = tpu.memref_squeeze %dma_wait3A_266 : memref<1x16x100xi32, #tpu.memory_space<vmem>> -> memref<16x100xi32, #tpu.memory_space<vmem>>
          %dma_wait3A_268 = arith.constant 0 : i32
          %dma_wait3A_269 = tpu.memref_slice %arg3[%add3A_245, %dma_wait3A_268] : memref<8192x100xi32, #tpu.memory_space<hbm>> -> memref<16x100xi32, #tpu.memory_space<hbm>>
          %dma_wait3A_270 = arith.constant 0 : i32
          %dma_wait3A_271 = arith.constant 0 : i32
          %dma_wait3A_272 = tpu.memref_slice %arg5[%rem3A_240, %dma_wait3A_270, %dma_wait3A_271] : memref<4x16x100xi32, #tpu.memory_space<vmem>> -> memref<1x16x100xi32, #tpu.memory_space<vmem>>
          %dma_wait3A_273 = tpu.memref_squeeze %dma_wait3A_272 : memref<1x16x100xi32, #tpu.memory_space<vmem>> -> memref<16x100xi32, #tpu.memory_space<vmem>>
          %dma_wait3A_274 = arith.constant 0 : i32
          %dma_wait3A_275 = tpu.memref_slice %arg3[%add3A_245, %dma_wait3A_274] : memref<8192x100xi32, #tpu.memory_space<hbm>> -> memref<16x100xi32, #tpu.memory_space<hbm>>
          tpu.wait_dma2 semaphore(%run_scoped3A_252 : memref<!tpu.dma_semaphore, #tpu.memory_space<semaphore_mem>>) src(%dma_wait3A_275 : memref<16x100xi32, #tpu.memory_space<hbm>>) dst(%dma_wait3A_273 : memref<16x100xi32, #tpu.memory_space<vmem>>)
          tpu.yield
        }) : () -> ()
        %scan3A_246 = arith.constant 0 : i32
        %scan3A_247 = arith.constant 0 : i32
        %scan3A_248 = arith.constant 16 : i32
        %scan3A_249 = arith.addi %scan3A_247, %scan3A_248 : i32
        %scan3A_250 = arith.constant 1 : i32
        scf.for %scan3A_252 = %scan3A_247 to %scan3A_249 step %scan3A_250  : i32 {
          %mul3A_253 = arith.constant 100 : i32
          %mul3A_254 = arith.muli %scan3A_252, %mul3A_253 : i32
          %dma_start3A = arith.constant 0 : i32
          %dma_start3A_255 = tpu.memref_slice %arg6[%rem3A_240, %mul3A_254, %dma_start3A] : memref<4x1600x16xf32, #tpu.memory_space<vmem>> -> memref<1x100x16xf32, #tpu.memory_space<vmem>>
          %dma_start3A_256 = tpu.memref_squeeze %dma_start3A_255 : memref<1x100x16xf32, #tpu.memory_space<vmem>> -> memref<100x16xf32, #tpu.memory_space<vmem>>
          %dma_start3A_257 = arith.constant 0 : i32
          %dma_start3A_258 = tpu.memref_slice %arg5[%rem3A_240, %scan3A_252, %dma_start3A_257] : memref<4x16x100xi32, #tpu.memory_space<vmem>> -> memref<1x1x100xi32, #tpu.memory_space<vmem>>
          %dma_start3A_259 = tpu.memref_squeeze %dma_start3A_258 : memref<1x1x100xi32, #tpu.memory_space<vmem>> -> memref<100xi32, #tpu.memory_space<vmem>>
          %dma_start3A_260 = arith.constant 0 : i32
          %dma_start3A_261 = arith.constant 0 : i32
          %dma_start3A_262 = tpu.memref_slice %arg2[%dma_start3A_260, %dma_start3A_261] : memref<100000x16xf32, #tpu.memory_space<hbm>> -> memref<100000x16xf32, #tpu.memory_space<hbm>>
          %dma_start3A_263 = tpu.memref_slice %arg8[%rem3A_240] : memref<4x!tpu.dma_semaphore, #tpu.memory_space<semaphore_mem>> -> memref<1x!tpu.dma_semaphore, #tpu.memory_space<semaphore_mem>>
          %dma_start3A_264 = tpu.memref_squeeze %dma_start3A_263 : memref<1x!tpu.dma_semaphore, #tpu.memory_space<semaphore_mem>> -> memref<!tpu.dma_semaphore, #tpu.memory_space<semaphore_mem>>
          tpu.enqueue_indirect_dma source(%dma_start3A_262 : memref<100000x16xf32, #tpu.memory_space<hbm>>) target(%dma_start3A_256 : memref<100x16xf32, #tpu.memory_space<vmem>>) offsets(%dma_start3A_259 : memref<100xi32, #tpu.memory_space<vmem>>) semaphore(%dma_start3A_264 : memref<!tpu.dma_semaphore, #tpu.memory_space<semaphore_mem>>)
        }
        %scan3A_251 = arith.constant 16 : i32
      } else {
      }
      %broadcast_in_dim3A = arith.constant 0.000000e+00 : f32
      %broadcast_in_dim3A_60 = vector.broadcast %broadcast_in_dim3A : f32 to vector<16xf32>
      %scan3A_61 = arith.constant 0 : i32
      %scan3A_62 = arith.constant 25 : i32
      %scan3A_63 = arith.addi %scan3A_61, %scan3A_62 : i32
      %scan3A_64 = arith.constant 1 : i32
      %scan3A_65:8 = scf.for %scan3A_231 = %scan3A_61 to %scan3A_63 step %scan3A_64 iter_args(%scan3A_232 = %broadcast_in_dim3A_60, %scan3A_233 = %broadcast_in_dim3A_60, %scan3A_234 = %broadcast_in_dim3A_60, %scan3A_235 = %broadcast_in_dim3A_60, %scan3A_236 = %broadcast_in_dim3A_60, %scan3A_237 = %broadcast_in_dim3A_60, %scan3A_238 = %broadcast_in_dim3A_60, %scan3A_239 = %broadcast_in_dim3A_60) -> (vector<16xf32>, vector<16xf32>, vector<16xf32>, vector<16xf32>, vector<16xf32>, vector<16xf32>, vector<16xf32>, vector<16xf32>)  : i32 {
        %mul3A_240 = arith.constant 8 : i32
        %mul3A_241 = arith.muli %mul3A_240, %scan3A_231 : i32
        %add3A_242 = arith.constant 0 : i32
        %add3A_243 = arith.addi %add3A_242, %mul3A_241 : i32
        %add3A_244 = arith.constant 0 : i32
        %add3A_245 = arith.addi %add3A_243, %add3A_244 : i32
        %get3A = arith.index_cast %rem3A_39 : i32 to index
        %get3A_246 = arith.index_cast %add3A_245 : i32 to index
        %get3A_247 = arith.constant 0 : index
        %get3A_248 = tpu.vector_load %arg6[%get3A, %get3A_246, %get3A_247] {strides = array<i32>} : memref<4x1600x16xf32, #tpu.memory_space<vmem>>, vector<1x1x16xf32>,
        %get3A_249 = vector.shape_cast %get3A_248 : vector<1x1x16xf32> to vector<16xf32>
        %add3A_250 = arith.addf %scan3A_232, %get3A_249 : vector<16xf32>
        %add3A_251 = arith.constant 1 : i32
        %add3A_252 = arith.addi %add3A_243, %add3A_251 : i32
        %get3A_253 = arith.index_cast %rem3A_39 : i32 to index
        %get3A_254 = arith.index_cast %add3A_252 : i32 to index
        %get3A_255 = arith.constant 0 : index
        %get3A_256 = tpu.vector_load %arg6[%get3A_253, %get3A_254, %get3A_255] {strides = array<i32>} : memref<4x1600x16xf32, #tpu.memory_space<vmem>>, vector<1x1x16xf32>,
        %get3A_257 = vector.shape_cast %get3A_256 : vector<1x1x16xf32> to vector<16xf32>
        %add3A_258 = arith.addf %scan3A_233, %get3A_257 : vector<16xf32>
        %add3A_259 = arith.constant 2 : i32
        %add3A_260 = arith.addi %add3A_243, %add3A_259 : i32
        %get3A_261 = arith.index_cast %rem3A_39 : i32 to index
        %get3A_262 = arith.index_cast %add3A_260 : i32 to index
        %get3A_263 = arith.constant 0 : index
        %get3A_264 = tpu.vector_load %arg6[%get3A_261, %get3A_262, %get3A_263] {strides = array<i32>} : memref<4x1600x16xf32, #tpu.memory_space<vmem>>, vector<1x1x16xf32>,
        %get3A_265 = vector.shape_cast %get3A_264 : vector<1x1x16xf32> to vector<16xf32>
        %add3A_266 = arith.addf %scan3A_234, %get3A_265 : vector<16xf32>
        %add3A_267 = arith.constant 3 : i32
        %add3A_268 = arith.addi %add3A_243, %add3A_267 : i32
        %get3A_269 = arith.index_cast %rem3A_39 : i32 to index
        %get3A_270 = arith.index_cast %add3A_268 : i32 to index
        %get3A_271 = arith.constant 0 : index
        %get3A_272 = tpu.vector_load %arg6[%get3A_269, %get3A_270, %get3A_271] {strides = array<i32>} : memref<4x1600x16xf32, #tpu.memory_space<vmem>>, vector<1x1x16xf32>,
        %get3A_273 = vector.shape_cast %get3A_272 : vector<1x1x16xf32> to vector<16xf32>
        %add3A_274 = arith.addf %scan3A_235, %get3A_273 : vector<16xf32>
        %add3A_275 = arith.constant 4 : i32
        %add3A_276 = arith.addi %add3A_243, %add3A_275 : i32
        %get3A_277 = arith.index_cast %rem3A_39 : i32 to index
        %get3A_278 = arith.index_cast %add3A_276 : i32 to index
        %get3A_279 = arith.constant 0 : index
        %get3A_280 = tpu.vector_load %arg6[%get3A_277, %get3A_278, %get3A_279] {strides = array<i32>} : memref<4x1600x16xf32, #tpu.memory_space<vmem>>, vector<1x1x16xf32>,
        %get3A_281 = vector.shape_cast %get3A_280 : vector<1x1x16xf32> to vector<16xf32>
        %add3A_282 = arith.addf %scan3A_236, %get3A_281 : vector<16xf32>
        %add3A_283 = arith.constant 5 : i32
        %add3A_284 = arith.addi %add3A_243, %add3A_283 : i32
        %get3A_285 = arith.index_cast %rem3A_39 : i32 to index
        %get3A_286 = arith.index_cast %add3A_284 : i32 to index
        %get3A_287 = arith.constant 0 : index
        %get3A_288 = tpu.vector_load %arg6[%get3A_285, %get3A_286, %get3A_287] {strides = array<i32>} : memref<4x1600x16xf32, #tpu.memory_space<vmem>>, vector<1x1x16xf32>,
        %get3A_289 = vector.shape_cast %get3A_288 : vector<1x1x16xf32> to vector<16xf32>
        %add3A_290 = arith.addf %scan3A_237, %get3A_289 : vector<16xf32>
        %add3A_291 = arith.constant 6 : i32
        %add3A_292 = arith.addi %add3A_243, %add3A_291 : i32
        %get3A_293 = arith.index_cast %rem3A_39 : i32 to index
        %get3A_294 = arith.index_cast %add3A_292 : i32 to index
        %get3A_295 = arith.constant 0 : index
        %get3A_296 = tpu.vector_load %arg6[%get3A_293, %get3A_294, %get3A_295] {strides = array<i32>} : memref<4x1600x16xf32, #tpu.memory_space<vmem>>, vector<1x1x16xf32>,
        %get3A_297 = vector.shape_cast %get3A_296 : vector<1x1x16xf32> to vector<16xf32>
        %add3A_298 = arith.addf %scan3A_238, %get3A_297 : vector<16xf32>
        %add3A_299 = arith.constant 7 : i32
        %add3A_300 = arith.addi %add3A_243, %add3A_299 : i32
        %get3A_301 = arith.index_cast %rem3A_39 : i32 to index
        %get3A_302 = arith.index_cast %add3A_300 : i32 to index
        %get3A_303 = arith.constant 0 : index
        %get3A_304 = tpu.vector_load %arg6[%get3A_301, %get3A_302, %get3A_303] {strides = array<i32>} : memref<4x1600x16xf32, #tpu.memory_space<vmem>>, vector<1x1x16xf32>,
        %get3A_305 = vector.shape_cast %get3A_304 : vector<1x1x16xf32> to vector<16xf32>
        %add3A_306 = arith.addf %scan3A_239, %get3A_305 : vector<16xf32>
        scf.yield %add3A_250, %add3A_258, %add3A_266, %add3A_274, %add3A_282, %add3A_290, %add3A_298, %add3A_306 : vector<16xf32>, vector<16xf32>, vector<16xf32>, vector<16xf32>, vector<16xf32>, vector<16xf32>, vector<16xf32>, vector<16xf32>
      }
      %scan3A_66 = arith.constant 25 : i32
      %add3A_67 = arith.addf %scan3A_65#0, %scan3A_65#1 : vector<16xf32>
      %add3A_68 = arith.addf %scan3A_65#2, %scan3A_65#3 : vector<16xf32>
      %add3A_69 = arith.addf %add3A_67, %add3A_68 : vector<16xf32>
      %add3A_70 = arith.addf %scan3A_65#4, %scan3A_65#5 : vector<16xf32>
      %add3A_71 = arith.addf %scan3A_65#6, %scan3A_65#7 : vector<16xf32>
      %add3A_72 = arith.addf %add3A_70, %add3A_71 : vector<16xf32>
      %add3A_73 = arith.addf %add3A_69, %add3A_72 : vector<16xf32>
      %swap3A = arith.constant 0 : i32
      %swap3A_74 = arith.index_cast %swap3A : i32 to index
      %swap3A_75 = arith.constant 0 : index
      %swap3A_76 = tpu.vector_load %arg7[%swap3A_74, %swap3A_75] {strides = array<i32>} : memref<8x16xf32, #tpu.memory_space<vmem>>, vector<1x16xf32>,
      %swap3A_77 = vector.shape_cast %swap3A_76 : vector<1x16xf32> to vector<16xf32>
      %swap3A_78 = vector.shape_cast %add3A_73 : vector<16xf32> to vector<1x16xf32>
      tpu.vector_store %arg7[%swap3A_74, %swap3A_75], %swap3A_78 {strides = array<i32>} : memref<8x16xf32, #tpu.memory_space<vmem>>, vector<1x16xf32>,
      %broadcast_in_dim3A_79 = arith.constant 0.000000e+00 : f32
      %broadcast_in_dim3A_80 = vector.broadcast %broadcast_in_dim3A_79 : f32 to vector<16xf32>
      %scan3A_81 = arith.constant 0 : i32
      %scan3A_82 = arith.constant 25 : i32
      %scan3A_83 = arith.addi %scan3A_81, %scan3A_82 : i32
      %scan3A_84 = arith.constant 1 : i32
      %scan3A_85:8 = scf.for %scan3A_231 = %scan3A_81 to %scan3A_83 step %scan3A_84 iter_args(%scan3A_232 = %broadcast_in_dim3A_80, %scan3A_233 = %broadcast_in_dim3A_80, %scan3A_234 = %broadcast_in_dim3A_80, %scan3A_235 = %broadcast_in_dim3A_80, %scan3A_236 = %broadcast_in_dim3A_80, %scan3A_237 = %broadcast_in_dim3A_80, %scan3A_238 = %broadcast_in_dim3A_80, %scan3A_239 = %broadcast_in_dim3A_80) -> (vector<16xf32>, vector<16xf32>, vector<16xf32>, vector<16xf32>, vector<16xf32>, vector<16xf32>, vector<16xf32>, vector<16xf32>)  : i32 {
        %mul3A_240 = arith.constant 8 : i32
        %mul3A_241 = arith.muli %mul3A_240, %scan3A_231 : i32
        %add3A_242 = arith.constant 200 : i32
        %add3A_243 = arith.addi %add3A_242, %mul3A_241 : i32
        %add3A_244 = arith.constant 0 : i32
        %add3A_245 = arith.addi %add3A_243, %add3A_244 : i32
        %get3A = arith.index_cast %rem3A_39 : i32 to index
        %get3A_246 = arith.index_cast %add3A_245 : i32 to index
        %get3A_247 = arith.constant 0 : index
        %get3A_248 = tpu.vector_load %arg6[%get3A, %get3A_246, %get3A_247] {strides = array<i32>} : memref<4x1600x16xf32, #tpu.memory_space<vmem>>, vector<1x1x16xf32>,
        %get3A_249 = vector.shape_cast %get3A_248 : vector<1x1x16xf32> to vector<16xf32>
        %add3A_250 = arith.addf %scan3A_232, %get3A_249 : vector<16xf32>
        %add3A_251 = arith.constant 1 : i32
        %add3A_252 = arith.addi %add3A_243, %add3A_251 : i32
        %get3A_253 = arith.index_cast %rem3A_39 : i32 to index
        %get3A_254 = arith.index_cast %add3A_252 : i32 to index
        %get3A_255 = arith.constant 0 : index
        %get3A_256 = tpu.vector_load %arg6[%get3A_253, %get3A_254, %get3A_255] {strides = array<i32>} : memref<4x1600x16xf32, #tpu.memory_space<vmem>>, vector<1x1x16xf32>,
        %get3A_257 = vector.shape_cast %get3A_256 : vector<1x1x16xf32> to vector<16xf32>
        %add3A_258 = arith.addf %scan3A_233, %get3A_257 : vector<16xf32>
        %add3A_259 = arith.constant 2 : i32
        %add3A_260 = arith.addi %add3A_243, %add3A_259 : i32
        %get3A_261 = arith.index_cast %rem3A_39 : i32 to index
        %get3A_262 = arith.index_cast %add3A_260 : i32 to index
        %get3A_263 = arith.constant 0 : index
        %get3A_264 = tpu.vector_load %arg6[%get3A_261, %get3A_262, %get3A_263] {strides = array<i32>} : memref<4x1600x16xf32, #tpu.memory_space<vmem>>, vector<1x1x16xf32>,
        %get3A_265 = vector.shape_cast %get3A_264 : vector<1x1x16xf32> to vector<16xf32>
        %add3A_266 = arith.addf %scan3A_234, %get3A_265 : vector<16xf32>
        %add3A_267 = arith.constant 3 : i32
        %add3A_268 = arith.addi %add3A_243, %add3A_267 : i32
        %get3A_269 = arith.index_cast %rem3A_39 : i32 to index
        %get3A_270 = arith.index_cast %add3A_268 : i32 to index
        %get3A_271 = arith.constant 0 : index
        %get3A_272 = tpu.vector_load %arg6[%get3A_269, %get3A_270, %get3A_271] {strides = array<i32>} : memref<4x1600x16xf32, #tpu.memory_space<vmem>>, vector<1x1x16xf32>,
        %get3A_273 = vector.shape_cast %get3A_272 : vector<1x1x16xf32> to vector<16xf32>
        %add3A_274 = arith.addf %scan3A_235, %get3A_273 : vector<16xf32>
        %add3A_275 = arith.constant 4 : i32
        %add3A_276 = arith.addi %add3A_243, %add3A_275 : i32
        %get3A_277 = arith.index_cast %rem3A_39 : i32 to index
        %get3A_278 = arith.index_cast %add3A_276 : i32 to index
        %get3A_279 = arith.constant 0 : index
        %get3A_280 = tpu.vector_load %arg6[%get3A_277, %get3A_278, %get3A_279] {strides = array<i32>} : memref<4x1600x16xf32, #tpu.memory_space<vmem>>, vector<1x1x16xf32>,
        %get3A_281 = vector.shape_cast %get3A_280 : vector<1x1x16xf32> to vector<16xf32>
        %add3A_282 = arith.addf %scan3A_236, %get3A_281 : vector<16xf32>
        %add3A_283 = arith.constant 5 : i32
        %add3A_284 = arith.addi %add3A_243, %add3A_283 : i32
        %get3A_285 = arith.index_cast %rem3A_39 : i32 to index
        %get3A_286 = arith.index_cast %add3A_284 : i32 to index
        %get3A_287 = arith.constant 0 : index
        %get3A_288 = tpu.vector_load %arg6[%get3A_285, %get3A_286, %get3A_287] {strides = array<i32>} : memref<4x1600x16xf32, #tpu.memory_space<vmem>>, vector<1x1x16xf32>,
        %get3A_289 = vector.shape_cast %get3A_288 : vector<1x1x16xf32> to vector<16xf32>
        %add3A_290 = arith.addf %scan3A_237, %get3A_289 : vector<16xf32>
        %add3A_291 = arith.constant 6 : i32
        %add3A_292 = arith.addi %add3A_243, %add3A_291 : i32
        %get3A_293 = arith.index_cast %rem3A_39 : i32 to index
        %get3A_294 = arith.index_cast %add3A_292 : i32 to index
        %get3A_295 = arith.constant 0 : index
        %get3A_296 = tpu.vector_load %arg6[%get3A_293, %get3A_294, %get3A_295] {strides = array<i32>} : memref<4x1600x16xf32, #tpu.memory_space<vmem>>, vector<1x1x16xf32>,
        %get3A_297 = vector.shape_cast %get3A_296 : vector<1x1x16xf32> to vector<16xf32>
        %add3A_298 = arith.addf %scan3A_238, %get3A_297 : vector<16xf32>
        %add3A_299 = arith.constant 7 : i32
        %add3A_300 = arith.addi %add3A_243, %add3A_299 : i32
        %get3A_301 = arith.index_cast %rem3A_39 : i32 to index
        %get3A_302 = arith.index_cast %add3A_300 : i32 to index
        %get3A_303 = arith.constant 0 : index
        %get3A_304 = tpu.vector_load %arg6[%get3A_301, %get3A_302, %get3A_303] {strides = array<i32>} : memref<4x1600x16xf32, #tpu.memory_space<vmem>>, vector<1x1x16xf32>,
        %get3A_305 = vector.shape_cast %get3A_304 : vector<1x1x16xf32> to vector<16xf32>
        %add3A_306 = arith.addf %scan3A_239, %get3A_305 : vector<16xf32>
        scf.yield %add3A_250, %add3A_258, %add3A_266, %add3A_274, %add3A_282, %add3A_290, %add3A_298, %add3A_306 : vector<16xf32>, vector<16xf32>, vector<16xf32>, vector<16xf32>, vector<16xf32>, vector<16xf32>, vector<16xf32>, vector<16xf32>
      }
      %scan3A_86 = arith.constant 25 : i32
      %add3A_87 = arith.addf %scan3A_85#0, %scan3A_85#1 : vector<16xf32>
      %add3A_88 = arith.addf %scan3A_85#2, %scan3A_85#3 : vector<16xf32>
      %add3A_89 = arith.addf %add3A_87, %add3A_88 : vector<16xf32>
      %add3A_90 = arith.addf %scan3A_85#4, %scan3A_85#5 : vector<16xf32>
      %add3A_91 = arith.addf %scan3A_85#6, %scan3A_85#7 : vector<16xf32>
      %add3A_92 = arith.addf %add3A_90, %add3A_91 : vector<16xf32>
      %add3A_93 = arith.addf %add3A_89, %add3A_92 : vector<16xf32>
      %swap3A_94 = arith.constant 1 : i32
      %swap3A_95 = arith.index_cast %swap3A_94 : i32 to index
      %swap3A_96 = arith.constant 0 : index
      %swap3A_97 = tpu.vector_load %arg7[%swap3A_95, %swap3A_96] {strides = array<i32>} : memref<8x16xf32, #tpu.memory_space<vmem>>, vector<1x16xf32>,
      %swap3A_98 = vector.shape_cast %swap3A_97 : vector<1x16xf32> to vector<16xf32>
      %swap3A_99 = vector.shape_cast %add3A_93 : vector<16xf32> to vector<1x16xf32>
      tpu.vector_store %arg7[%swap3A_95, %swap3A_96], %swap3A_99 {strides = array<i32>} : memref<8x16xf32, #tpu.memory_space<vmem>>, vector<1x16xf32>,
      %broadcast_in_dim3A_100 = arith.constant 0.000000e+00 : f32
      %broadcast_in_dim3A_101 = vector.broadcast %broadcast_in_dim3A_100 : f32 to vector<16xf32>
      %scan3A_102 = arith.constant 0 : i32
      %scan3A_103 = arith.constant 25 : i32
      %scan3A_104 = arith.addi %scan3A_102, %scan3A_103 : i32
      %scan3A_105 = arith.constant 1 : i32
      %scan3A_106:8 = scf.for %scan3A_231 = %scan3A_102 to %scan3A_104 step %scan3A_105 iter_args(%scan3A_232 = %broadcast_in_dim3A_101, %scan3A_233 = %broadcast_in_dim3A_101, %scan3A_234 = %broadcast_in_dim3A_101, %scan3A_235 = %broadcast_in_dim3A_101, %scan3A_236 = %broadcast_in_dim3A_101, %scan3A_237 = %broadcast_in_dim3A_101, %scan3A_238 = %broadcast_in_dim3A_101, %scan3A_239 = %broadcast_in_dim3A_101) -> (vector<16xf32>, vector<16xf32>, vector<16xf32>, vector<16xf32>, vector<16xf32>, vector<16xf32>, vector<16xf32>, vector<16xf32>)  : i32 {
        %mul3A_240 = arith.constant 8 : i32
        %mul3A_241 = arith.muli %mul3A_240, %scan3A_231 : i32
        %add3A_242 = arith.constant 400 : i32
        %add3A_243 = arith.addi %add3A_242, %mul3A_241 : i32
        %add3A_244 = arith.constant 0 : i32
        %add3A_245 = arith.addi %add3A_243, %add3A_244 : i32
        %get3A = arith.index_cast %rem3A_39 : i32 to index
        %get3A_246 = arith.index_cast %add3A_245 : i32 to index
        %get3A_247 = arith.constant 0 : index
        %get3A_248 = tpu.vector_load %arg6[%get3A, %get3A_246, %get3A_247] {strides = array<i32>} : memref<4x1600x16xf32, #tpu.memory_space<vmem>>, vector<1x1x16xf32>,
        %get3A_249 = vector.shape_cast %get3A_248 : vector<1x1x16xf32> to vector<16xf32>
        %add3A_250 = arith.addf %scan3A_232, %get3A_249 : vector<16xf32>
        %add3A_251 = arith.constant 1 : i32
        %add3A_252 = arith.addi %add3A_243, %add3A_251 : i32
        %get3A_253 = arith.index_cast %rem3A_39 : i32 to index
        %get3A_254 = arith.index_cast %add3A_252 : i32 to index
        %get3A_255 = arith.constant 0 : index
        %get3A_256 = tpu.vector_load %arg6[%get3A_253, %get3A_254, %get3A_255] {strides = array<i32>} : memref<4x1600x16xf32, #tpu.memory_space<vmem>>, vector<1x1x16xf32>,
        %get3A_257 = vector.shape_cast %get3A_256 : vector<1x1x16xf32> to vector<16xf32>
        %add3A_258 = arith.addf %scan3A_233, %get3A_257 : vector<16xf32>
        %add3A_259 = arith.constant 2 : i32
        %add3A_260 = arith.addi %add3A_243, %add3A_259 : i32
        %get3A_261 = arith.index_cast %rem3A_39 : i32 to index
        %get3A_262 = arith.index_cast %add3A_260 : i32 to index
        %get3A_263 = arith.constant 0 : index
        %get3A_264 = tpu.vector_load %arg6[%get3A_261, %get3A_262, %get3A_263] {strides = array<i32>} : memref<4x1600x16xf32, #tpu.memory_space<vmem>>, vector<1x1x16xf32>,
        %get3A_265 = vector.shape_cast %get3A_264 : vector<1x1x16xf32> to vector<16xf32>
        %add3A_266 = arith.addf %scan3A_234, %get3A_265 : vector<16xf32>
        %add3A_267 = arith.constant 3 : i32
        %add3A_268 = arith.addi %add3A_243, %add3A_267 : i32
        %get3A_269 = arith.index_cast %rem3A_39 : i32 to index
        %get3A_270 = arith.index_cast %add3A_268 : i32 to index
        %get3A_271 = arith.constant 0 : index
        %get3A_272 = tpu.vector_load %arg6[%get3A_269, %get3A_270, %get3A_271] {strides = array<i32>} : memref<4x1600x16xf32, #tpu.memory_space<vmem>>, vector<1x1x16xf32>,
        %get3A_273 = vector.shape_cast %get3A_272 : vector<1x1x16xf32> to vector<16xf32>
        %add3A_274 = arith.addf %scan3A_235, %get3A_273 : vector<16xf32>
        %add3A_275 = arith.constant 4 : i32
        %add3A_276 = arith.addi %add3A_243, %add3A_275 : i32
        %get3A_277 = arith.index_cast %rem3A_39 : i32 to index
        %get3A_278 = arith.index_cast %add3A_276 : i32 to index
        %get3A_279 = arith.constant 0 : index
        %get3A_280 = tpu.vector_load %arg6[%get3A_277, %get3A_278, %get3A_279] {strides = array<i32>} : memref<4x1600x16xf32, #tpu.memory_space<vmem>>, vector<1x1x16xf32>,
        %get3A_281 = vector.shape_cast %get3A_280 : vector<1x1x16xf32> to vector<16xf32>
        %add3A_282 = arith.addf %scan3A_236, %get3A_281 : vector<16xf32>
        %add3A_283 = arith.constant 5 : i32
        %add3A_284 = arith.addi %add3A_243, %add3A_283 : i32
        %get3A_285 = arith.index_cast %rem3A_39 : i32 to index
        %get3A_286 = arith.index_cast %add3A_284 : i32 to index
        %get3A_287 = arith.constant 0 : index
        %get3A_288 = tpu.vector_load %arg6[%get3A_285, %get3A_286, %get3A_287] {strides = array<i32>} : memref<4x1600x16xf32, #tpu.memory_space<vmem>>, vector<1x1x16xf32>,
        %get3A_289 = vector.shape_cast %get3A_288 : vector<1x1x16xf32> to vector<16xf32>
        %add3A_290 = arith.addf %scan3A_237, %get3A_289 : vector<16xf32>
        %add3A_291 = arith.constant 6 : i32
        %add3A_292 = arith.addi %add3A_243, %add3A_291 : i32
        %get3A_293 = arith.index_cast %rem3A_39 : i32 to index
        %get3A_294 = arith.index_cast %add3A_292 : i32 to index
        %get3A_295 = arith.constant 0 : index
        %get3A_296 = tpu.vector_load %arg6[%get3A_293, %get3A_294, %get3A_295] {strides = array<i32>} : memref<4x1600x16xf32, #tpu.memory_space<vmem>>, vector<1x1x16xf32>,
        %get3A_297 = vector.shape_cast %get3A_296 : vector<1x1x16xf32> to vector<16xf32>
        %add3A_298 = arith.addf %scan3A_238, %get3A_297 : vector<16xf32>
        %add3A_299 = arith.constant 7 : i32
        %add3A_300 = arith.addi %add3A_243, %add3A_299 : i32
        %get3A_301 = arith.index_cast %rem3A_39 : i32 to index
        %get3A_302 = arith.index_cast %add3A_300 : i32 to index
        %get3A_303 = arith.constant 0 : index
        %get3A_304 = tpu.vector_load %arg6[%get3A_301, %get3A_302, %get3A_303] {strides = array<i32>} : memref<4x1600x16xf32, #tpu.memory_space<vmem>>, vector<1x1x16xf32>,
        %get3A_305 = vector.shape_cast %get3A_304 : vector<1x1x16xf32> to vector<16xf32>
        %add3A_306 = arith.addf %scan3A_239, %get3A_305 : vector<16xf32>
        scf.yield %add3A_250, %add3A_258, %add3A_266, %add3A_274, %add3A_282, %add3A_290, %add3A_298, %add3A_306 : vector<16xf32>, vector<16xf32>, vector<16xf32>, vector<16xf32>, vector<16xf32>, vector<16xf32>, vector<16xf32>, vector<16xf32>
      }
      %scan3A_107 = arith.constant 25 : i32
      %add3A_108 = arith.addf %scan3A_106#0, %scan3A_106#1 : vector<16xf32>
      %add3A_109 = arith.addf %scan3A_106#2, %scan3A_106#3 : vector<16xf32>
      %add3A_110 = arith.addf %add3A_108, %add3A_109 : vector<16xf32>
      %add3A_111 = arith.addf %scan3A_106#4, %scan3A_106#5 : vector<16xf32>
      %add3A_112 = arith.addf %scan3A_106#6, %scan3A_106#7 : vector<16xf32>
      %add3A_113 = arith.addf %add3A_111, %add3A_112 : vector<16xf32>
      %add3A_114 = arith.addf %add3A_110, %add3A_113 : vector<16xf32>
      %swap3A_115 = arith.constant 2 : i32
      %swap3A_116 = arith.index_cast %swap3A_115 : i32 to index
      %swap3A_117 = arith.constant 0 : index
      %swap3A_118 = tpu.vector_load %arg7[%swap3A_116, %swap3A_117] {strides = array<i32>} : memref<8x16xf32, #tpu.memory_space<vmem>>, vector<1x16xf32>,
      %swap3A_119 = vector.shape_cast %swap3A_118 : vector<1x16xf32> to vector<16xf32>
      %swap3A_120 = vector.shape_cast %add3A_114 : vector<16xf32> to vector<1x16xf32>
      tpu.vector_store %arg7[%swap3A_116, %swap3A_117], %swap3A_120 {strides = array<i32>} : memref<8x16xf32, #tpu.memory_space<vmem>>, vector<1x16xf32>,
      %broadcast_in_dim3A_121 = arith.constant 0.000000e+00 : f32
      %broadcast_in_dim3A_122 = vector.broadcast %broadcast_in_dim3A_121 : f32 to vector<16xf32>
      %scan3A_123 = arith.constant 0 : i32
      %scan3A_124 = arith.constant 25 : i32
      %scan3A_125 = arith.addi %scan3A_123, %scan3A_124 : i32
      %scan3A_126 = arith.constant 1 : i32
      %scan3A_127:8 = scf.for %scan3A_231 = %scan3A_123 to %scan3A_125 step %scan3A_126 iter_args(%scan3A_232 = %broadcast_in_dim3A_122, %scan3A_233 = %broadcast_in_dim3A_122, %scan3A_234 = %broadcast_in_dim3A_122, %scan3A_235 = %broadcast_in_dim3A_122, %scan3A_236 = %broadcast_in_dim3A_122, %scan3A_237 = %broadcast_in_dim3A_122, %scan3A_238 = %broadcast_in_dim3A_122, %scan3A_239 = %broadcast_in_dim3A_122) -> (vector<16xf32>, vector<16xf32>, vector<16xf32>, vector<16xf32>, vector<16xf32>, vector<16xf32>, vector<16xf32>, vector<16xf32>)  : i32 {
        %mul3A_240 = arith.constant 8 : i32
        %mul3A_241 = arith.muli %mul3A_240, %scan3A_231 : i32
        %add3A_242 = arith.constant 600 : i32
        %add3A_243 = arith.addi %add3A_242, %mul3A_241 : i32
        %add3A_244 = arith.constant 0 : i32
        %add3A_245 = arith.addi %add3A_243, %add3A_244 : i32
        %get3A = arith.index_cast %rem3A_39 : i32 to index
        %get3A_246 = arith.index_cast %add3A_245 : i32 to index
        %get3A_247 = arith.constant 0 : index
        %get3A_248 = tpu.vector_load %arg6[%get3A, %get3A_246, %get3A_247] {strides = array<i32>} : memref<4x1600x16xf32, #tpu.memory_space<vmem>>, vector<1x1x16xf32>,
        %get3A_249 = vector.shape_cast %get3A_248 : vector<1x1x16xf32> to vector<16xf32>
        %add3A_250 = arith.addf %scan3A_232, %get3A_249 : vector<16xf32>
        %add3A_251 = arith.constant 1 : i32
        %add3A_252 = arith.addi %add3A_243, %add3A_251 : i32
        %get3A_253 = arith.index_cast %rem3A_39 : i32 to index
        %get3A_254 = arith.index_cast %add3A_252 : i32 to index
        %get3A_255 = arith.constant 0 : index
        %get3A_256 = tpu.vector_load %arg6[%get3A_253, %get3A_254, %get3A_255] {strides = array<i32>} : memref<4x1600x16xf32, #tpu.memory_space<vmem>>, vector<1x1x16xf32>,
        %get3A_257 = vector.shape_cast %get3A_256 : vector<1x1x16xf32> to vector<16xf32>
        %add3A_258 = arith.addf %scan3A_233, %get3A_257 : vector<16xf32>
        %add3A_259 = arith.constant 2 : i32
        %add3A_260 = arith.addi %add3A_243, %add3A_259 : i32
        %get3A_261 = arith.index_cast %rem3A_39 : i32 to index
        %get3A_262 = arith.index_cast %add3A_260 : i32 to index
        %get3A_263 = arith.constant 0 : index
        %get3A_264 = tpu.vector_load %arg6[%get3A_261, %get3A_262, %get3A_263] {strides = array<i32>} : memref<4x1600x16xf32, #tpu.memory_space<vmem>>, vector<1x1x16xf32>,
        %get3A_265 = vector.shape_cast %get3A_264 : vector<1x1x16xf32> to vector<16xf32>
        %add3A_266 = arith.addf %scan3A_234, %get3A_265 : vector<16xf32>
        %add3A_267 = arith.constant 3 : i32
        %add3A_268 = arith.addi %add3A_243, %add3A_267 : i32
        %get3A_269 = arith.index_cast %rem3A_39 : i32 to index
        %get3A_270 = arith.index_cast %add3A_268 : i32 to index
        %get3A_271 = arith.constant 0 : index
        %get3A_272 = tpu.vector_load %arg6[%get3A_269, %get3A_270, %get3A_271] {strides = array<i32>} : memref<4x1600x16xf32, #tpu.memory_space<vmem>>, vector<1x1x16xf32>,
        %get3A_273 = vector.shape_cast %get3A_272 : vector<1x1x16xf32> to vector<16xf32>
        %add3A_274 = arith.addf %scan3A_235, %get3A_273 : vector<16xf32>
        %add3A_275 = arith.constant 4 : i32
        %add3A_276 = arith.addi %add3A_243, %add3A_275 : i32
        %get3A_277 = arith.index_cast %rem3A_39 : i32 to index
        %get3A_278 = arith.index_cast %add3A_276 : i32 to index
        %get3A_279 = arith.constant 0 : index
        %get3A_280 = tpu.vector_load %arg6[%get3A_277, %get3A_278, %get3A_279] {strides = array<i32>} : memref<4x1600x16xf32, #tpu.memory_space<vmem>>, vector<1x1x16xf32>,
        %get3A_281 = vector.shape_cast %get3A_280 : vector<1x1x16xf32> to vector<16xf32>
        %add3A_282 = arith.addf %scan3A_236, %get3A_281 : vector<16xf32>
        %add3A_283 = arith.constant 5 : i32
        %add3A_284 = arith.addi %add3A_243, %add3A_283 : i32
        %get3A_285 = arith.index_cast %rem3A_39 : i32 to index
        %get3A_286 = arith.index_cast %add3A_284 : i32 to index
        %get3A_287 = arith.constant 0 : index
        %get3A_288 = tpu.vector_load %arg6[%get3A_285, %get3A_286, %get3A_287] {strides = array<i32>} : memref<4x1600x16xf32, #tpu.memory_space<vmem>>, vector<1x1x16xf32>,
        %get3A_289 = vector.shape_cast %get3A_288 : vector<1x1x16xf32> to vector<16xf32>
        %add3A_290 = arith.addf %scan3A_237, %get3A_289 : vector<16xf32>
        %add3A_291 = arith.constant 6 : i32
        %add3A_292 = arith.addi %add3A_243, %add3A_291 : i32
        %get3A_293 = arith.index_cast %rem3A_39 : i32 to index
        %get3A_294 = arith.index_cast %add3A_292 : i32 to index
        %get3A_295 = arith.constant 0 : index
        %get3A_296 = tpu.vector_load %arg6[%get3A_293, %get3A_294, %get3A_295] {strides = array<i32>} : memref<4x1600x16xf32, #tpu.memory_space<vmem>>, vector<1x1x16xf32>,
        %get3A_297 = vector.shape_cast %get3A_296 : vector<1x1x16xf32> to vector<16xf32>
        %add3A_298 = arith.addf %scan3A_238, %get3A_297 : vector<16xf32>
        %add3A_299 = arith.constant 7 : i32
        %add3A_300 = arith.addi %add3A_243, %add3A_299 : i32
        %get3A_301 = arith.index_cast %rem3A_39 : i32 to index
        %get3A_302 = arith.index_cast %add3A_300 : i32 to index
        %get3A_303 = arith.constant 0 : index
        %get3A_304 = tpu.vector_load %arg6[%get3A_301, %get3A_302, %get3A_303] {strides = array<i32>} : memref<4x1600x16xf32, #tpu.memory_space<vmem>>, vector<1x1x16xf32>,
        %get3A_305 = vector.shape_cast %get3A_304 : vector<1x1x16xf32> to vector<16xf32>
        %add3A_306 = arith.addf %scan3A_239, %get3A_305 : vector<16xf32>
        scf.yield %add3A_250, %add3A_258, %add3A_266, %add3A_274, %add3A_282, %add3A_290, %add3A_298, %add3A_306 : vector<16xf32>, vector<16xf32>, vector<16xf32>, vector<16xf32>, vector<16xf32>, vector<16xf32>, vector<16xf32>, vector<16xf32>
      }
      %scan3A_128 = arith.constant 25 : i32
      %add3A_129 = arith.addf %scan3A_127#0, %scan3A_127#1 : vector<16xf32>
      %add3A_130 = arith.addf %scan3A_127#2, %scan3A_127#3 : vector<16xf32>
      %add3A_131 = arith.addf %add3A_129, %add3A_130 : vector<16xf32>
      %add3A_132 = arith.addf %scan3A_127#4, %scan3A_127#5 : vector<16xf32>
      %add3A_133 = arith.addf %scan3A_127#6, %scan3A_127#7 : vector<16xf32>
      %add3A_134 = arith.addf %add3A_132, %add3A_133 : vector<16xf32>
      %add3A_135 = arith.addf %add3A_131, %add3A_134 : vector<16xf32>
      %swap3A_136 = arith.constant 3 : i32
      %swap3A_137 = arith.index_cast %swap3A_136 : i32 to index
      %swap3A_138 = arith.constant 0 : index
      %swap3A_139 = tpu.vector_load %arg7[%swap3A_137, %swap3A_138] {strides = array<i32>} : memref<8x16xf32, #tpu.memory_space<vmem>>, vector<1x16xf32>,
      %swap3A_140 = vector.shape_cast %swap3A_139 : vector<1x16xf32> to vector<16xf32>
      %swap3A_141 = vector.shape_cast %add3A_135 : vector<16xf32> to vector<1x16xf32>
      tpu.vector_store %arg7[%swap3A_137, %swap3A_138], %swap3A_141 {strides = array<i32>} : memref<8x16xf32, #tpu.memory_space<vmem>>, vector<1x16xf32>,
      %broadcast_in_dim3A_142 = arith.constant 0.000000e+00 : f32
      %broadcast_in_dim3A_143 = vector.broadcast %broadcast_in_dim3A_142 : f32 to vector<16xf32>
      %scan3A_144 = arith.constant 0 : i32
      %scan3A_145 = arith.constant 25 : i32
      %scan3A_146 = arith.addi %scan3A_144, %scan3A_145 : i32
      %scan3A_147 = arith.constant 1 : i32
      %scan3A_148:8 = scf.for %scan3A_231 = %scan3A_144 to %scan3A_146 step %scan3A_147 iter_args(%scan3A_232 = %broadcast_in_dim3A_143, %scan3A_233 = %broadcast_in_dim3A_143, %scan3A_234 = %broadcast_in_dim3A_143, %scan3A_235 = %broadcast_in_dim3A_143, %scan3A_236 = %broadcast_in_dim3A_143, %scan3A_237 = %broadcast_in_dim3A_143, %scan3A_238 = %broadcast_in_dim3A_143, %scan3A_239 = %broadcast_in_dim3A_143) -> (vector<16xf32>, vector<16xf32>, vector<16xf32>, vector<16xf32>, vector<16xf32>, vector<16xf32>, vector<16xf32>, vector<16xf32>)  : i32 {
        %mul3A_240 = arith.constant 8 : i32
        %mul3A_241 = arith.muli %mul3A_240, %scan3A_231 : i32
        %add3A_242 = arith.constant 800 : i32
        %add3A_243 = arith.addi %add3A_242, %mul3A_241 : i32
        %add3A_244 = arith.constant 0 : i32
        %add3A_245 = arith.addi %add3A_243, %add3A_244 : i32
        %get3A = arith.index_cast %rem3A_39 : i32 to index
        %get3A_246 = arith.index_cast %add3A_245 : i32 to index
        %get3A_247 = arith.constant 0 : index
        %get3A_248 = tpu.vector_load %arg6[%get3A, %get3A_246, %get3A_247] {strides = array<i32>} : memref<4x1600x16xf32, #tpu.memory_space<vmem>>, vector<1x1x16xf32>,
        %get3A_249 = vector.shape_cast %get3A_248 : vector<1x1x16xf32> to vector<16xf32>
        %add3A_250 = arith.addf %scan3A_232, %get3A_249 : vector<16xf32>
        %add3A_251 = arith.constant 1 : i32
        %add3A_252 = arith.addi %add3A_243, %add3A_251 : i32
        %get3A_253 = arith.index_cast %rem3A_39 : i32 to index
        %get3A_254 = arith.index_cast %add3A_252 : i32 to index
        %get3A_255 = arith.constant 0 : index
        %get3A_256 = tpu.vector_load %arg6[%get3A_253, %get3A_254, %get3A_255] {strides = array<i32>} : memref<4x1600x16xf32, #tpu.memory_space<vmem>>, vector<1x1x16xf32>,
        %get3A_257 = vector.shape_cast %get3A_256 : vector<1x1x16xf32> to vector<16xf32>
        %add3A_258 = arith.addf %scan3A_233, %get3A_257 : vector<16xf32>
        %add3A_259 = arith.constant 2 : i32
        %add3A_260 = arith.addi %add3A_243, %add3A_259 : i32
        %get3A_261 = arith.index_cast %rem3A_39 : i32 to index
        %get3A_262 = arith.index_cast %add3A_260 : i32 to index
        %get3A_263 = arith.constant 0 : index
        %get3A_264 = tpu.vector_load %arg6[%get3A_261, %get3A_262, %get3A_263] {strides = array<i32>} : memref<4x1600x16xf32, #tpu.memory_space<vmem>>, vector<1x1x16xf32>,
        %get3A_265 = vector.shape_cast %get3A_264 : vector<1x1x16xf32> to vector<16xf32>
        %add3A_266 = arith.addf %scan3A_234, %get3A_265 : vector<16xf32>
        %add3A_267 = arith.constant 3 : i32
        %add3A_268 = arith.addi %add3A_243, %add3A_267 : i32
        %get3A_269 = arith.index_cast %rem3A_39 : i32 to index
        %get3A_270 = arith.index_cast %add3A_268 : i32 to index
        %get3A_271 = arith.constant 0 : index
        %get3A_272 = tpu.vector_load %arg6[%get3A_269, %get3A_270, %get3A_271] {strides = array<i32>} : memref<4x1600x16xf32, #tpu.memory_space<vmem>>, vector<1x1x16xf32>,
        %get3A_273 = vector.shape_cast %get3A_272 : vector<1x1x16xf32> to vector<16xf32>
        %add3A_274 = arith.addf %scan3A_235, %get3A_273 : vector<16xf32>
        %add3A_275 = arith.constant 4 : i32
        %add3A_276 = arith.addi %add3A_243, %add3A_275 : i32
        %get3A_277 = arith.index_cast %rem3A_39 : i32 to index
        %get3A_278 = arith.index_cast %add3A_276 : i32 to index
        %get3A_279 = arith.constant 0 : index
        %get3A_280 = tpu.vector_load %arg6[%get3A_277, %get3A_278, %get3A_279] {strides = array<i32>} : memref<4x1600x16xf32, #tpu.memory_space<vmem>>, vector<1x1x16xf32>,
        %get3A_281 = vector.shape_cast %get3A_280 : vector<1x1x16xf32> to vector<16xf32>
        %add3A_282 = arith.addf %scan3A_236, %get3A_281 : vector<16xf32>
        %add3A_283 = arith.constant 5 : i32
        %add3A_284 = arith.addi %add3A_243, %add3A_283 : i32
        %get3A_285 = arith.index_cast %rem3A_39 : i32 to index
        %get3A_286 = arith.index_cast %add3A_284 : i32 to index
        %get3A_287 = arith.constant 0 : index
        %get3A_288 = tpu.vector_load %arg6[%get3A_285, %get3A_286, %get3A_287] {strides = array<i32>} : memref<4x1600x16xf32, #tpu.memory_space<vmem>>, vector<1x1x16xf32>,
        %get3A_289 = vector.shape_cast %get3A_288 : vector<1x1x16xf32> to vector<16xf32>
        %add3A_290 = arith.addf %scan3A_237, %get3A_289 : vector<16xf32>
        %add3A_291 = arith.constant 6 : i32
        %add3A_292 = arith.addi %add3A_243, %add3A_291 : i32
        %get3A_293 = arith.index_cast %rem3A_39 : i32 to index
        %get3A_294 = arith.index_cast %add3A_292 : i32 to index
        %get3A_295 = arith.constant 0 : index
        %get3A_296 = tpu.vector_load %arg6[%get3A_293, %get3A_294, %get3A_295] {strides = array<i32>} : memref<4x1600x16xf32, #tpu.memory_space<vmem>>, vector<1x1x16xf32>,
        %get3A_297 = vector.shape_cast %get3A_296 : vector<1x1x16xf32> to vector<16xf32>
        %add3A_298 = arith.addf %scan3A_238, %get3A_297 : vector<16xf32>
        %add3A_299 = arith.constant 7 : i32
        %add3A_300 = arith.addi %add3A_243, %add3A_299 : i32
        %get3A_301 = arith.index_cast %rem3A_39 : i32 to index
        %get3A_302 = arith.index_cast %add3A_300 : i32 to index
        %get3A_303 = arith.constant 0 : index
        %get3A_304 = tpu.vector_load %arg6[%get3A_301, %get3A_302, %get3A_303] {strides = array<i32>} : memref<4x1600x16xf32, #tpu.memory_space<vmem>>, vector<1x1x16xf32>,
        %get3A_305 = vector.shape_cast %get3A_304 : vector<1x1x16xf32> to vector<16xf32>
        %add3A_306 = arith.addf %scan3A_239, %get3A_305 : vector<16xf32>
        scf.yield %add3A_250, %add3A_258, %add3A_266, %add3A_274, %add3A_282, %add3A_290, %add3A_298, %add3A_306 : vector<16xf32>, vector<16xf32>, vector<16xf32>, vector<16xf32>, vector<16xf32>, vector<16xf32>, vector<16xf32>, vector<16xf32>
      }
      %scan3A_149 = arith.constant 25 : i32
      %add3A_150 = arith.addf %scan3A_148#0, %scan3A_148#1 : vector<16xf32>
      %add3A_151 = arith.addf %scan3A_148#2, %scan3A_148#3 : vector<16xf32>
      %add3A_152 = arith.addf %add3A_150, %add3A_151 : vector<16xf32>
      %add3A_153 = arith.addf %scan3A_148#4, %scan3A_148#5 : vector<16xf32>
      %add3A_154 = arith.addf %scan3A_148#6, %scan3A_148#7 : vector<16xf32>
      %add3A_155 = arith.addf %add3A_153, %add3A_154 : vector<16xf32>
      %add3A_156 = arith.addf %add3A_152, %add3A_155 : vector<16xf32>
      %swap3A_157 = arith.constant 4 : i32
      %swap3A_158 = arith.index_cast %swap3A_157 : i32 to index
      %swap3A_159 = arith.constant 0 : index
      %swap3A_160 = tpu.vector_load %arg7[%swap3A_158, %swap3A_159] {strides = array<i32>} : memref<8x16xf32, #tpu.memory_space<vmem>>, vector<1x16xf32>,
      %swap3A_161 = vector.shape_cast %swap3A_160 : vector<1x16xf32> to vector<16xf32>
      %swap3A_162 = vector.shape_cast %add3A_156 : vector<16xf32> to vector<1x16xf32>
      tpu.vector_store %arg7[%swap3A_158, %swap3A_159], %swap3A_162 {strides = array<i32>} : memref<8x16xf32, #tpu.memory_space<vmem>>, vector<1x16xf32>,
      %broadcast_in_dim3A_163 = arith.constant 0.000000e+00 : f32
      %broadcast_in_dim3A_164 = vector.broadcast %broadcast_in_dim3A_163 : f32 to vector<16xf32>
      %scan3A_165 = arith.constant 0 : i32
      %scan3A_166 = arith.constant 25 : i32
      %scan3A_167 = arith.addi %scan3A_165, %scan3A_166 : i32
      %scan3A_168 = arith.constant 1 : i32
      %scan3A_169:8 = scf.for %scan3A_231 = %scan3A_165 to %scan3A_167 step %scan3A_168 iter_args(%scan3A_232 = %broadcast_in_dim3A_164, %scan3A_233 = %broadcast_in_dim3A_164, %scan3A_234 = %broadcast_in_dim3A_164, %scan3A_235 = %broadcast_in_dim3A_164, %scan3A_236 = %broadcast_in_dim3A_164, %scan3A_237 = %broadcast_in_dim3A_164, %scan3A_238 = %broadcast_in_dim3A_164, %scan3A_239 = %broadcast_in_dim3A_164) -> (vector<16xf32>, vector<16xf32>, vector<16xf32>, vector<16xf32>, vector<16xf32>, vector<16xf32>, vector<16xf32>, vector<16xf32>)  : i32 {
        %mul3A_240 = arith.constant 8 : i32
        %mul3A_241 = arith.muli %mul3A_240, %scan3A_231 : i32
        %add3A_242 = arith.constant 1000 : i32
        %add3A_243 = arith.addi %add3A_242, %mul3A_241 : i32
        %add3A_244 = arith.constant 0 : i32
        %add3A_245 = arith.addi %add3A_243, %add3A_244 : i32
        %get3A = arith.index_cast %rem3A_39 : i32 to index
        %get3A_246 = arith.index_cast %add3A_245 : i32 to index
        %get3A_247 = arith.constant 0 : index
        %get3A_248 = tpu.vector_load %arg6[%get3A, %get3A_246, %get3A_247] {strides = array<i32>} : memref<4x1600x16xf32, #tpu.memory_space<vmem>>, vector<1x1x16xf32>,
        %get3A_249 = vector.shape_cast %get3A_248 : vector<1x1x16xf32> to vector<16xf32>
        %add3A_250 = arith.addf %scan3A_232, %get3A_249 : vector<16xf32>
        %add3A_251 = arith.constant 1 : i32
        %add3A_252 = arith.addi %add3A_243, %add3A_251 : i32
        %get3A_253 = arith.index_cast %rem3A_39 : i32 to index
        %get3A_254 = arith.index_cast %add3A_252 : i32 to index
        %get3A_255 = arith.constant 0 : index
        %get3A_256 = tpu.vector_load %arg6[%get3A_253, %get3A_254, %get3A_255] {strides = array<i32>} : memref<4x1600x16xf32, #tpu.memory_space<vmem>>, vector<1x1x16xf32>,
        %get3A_257 = vector.shape_cast %get3A_256 : vector<1x1x16xf32> to vector<16xf32>
        %add3A_258 = arith.addf %scan3A_233, %get3A_257 : vector<16xf32>
        %add3A_259 = arith.constant 2 : i32
        %add3A_260 = arith.addi %add3A_243, %add3A_259 : i32
        %get3A_261 = arith.index_cast %rem3A_39 : i32 to index
        %get3A_262 = arith.index_cast %add3A_260 : i32 to index
        %get3A_263 = arith.constant 0 : index
        %get3A_264 = tpu.vector_load %arg6[%get3A_261, %get3A_262, %get3A_263] {strides = array<i32>} : memref<4x1600x16xf32, #tpu.memory_space<vmem>>, vector<1x1x16xf32>,
        %get3A_265 = vector.shape_cast %get3A_264 : vector<1x1x16xf32> to vector<16xf32>
        %add3A_266 = arith.addf %scan3A_234, %get3A_265 : vector<16xf32>
        %add3A_267 = arith.constant 3 : i32
        %add3A_268 = arith.addi %add3A_243, %add3A_267 : i32
        %get3A_269 = arith.index_cast %rem3A_39 : i32 to index
        %get3A_270 = arith.index_cast %add3A_268 : i32 to index
        %get3A_271 = arith.constant 0 : index
        %get3A_272 = tpu.vector_load %arg6[%get3A_269, %get3A_270, %get3A_271] {strides = array<i32>} : memref<4x1600x16xf32, #tpu.memory_space<vmem>>, vector<1x1x16xf32>,
        %get3A_273 = vector.shape_cast %get3A_272 : vector<1x1x16xf32> to vector<16xf32>
        %add3A_274 = arith.addf %scan3A_235, %get3A_273 : vector<16xf32>
        %add3A_275 = arith.constant 4 : i32
        %add3A_276 = arith.addi %add3A_243, %add3A_275 : i32
        %get3A_277 = arith.index_cast %rem3A_39 : i32 to index
        %get3A_278 = arith.index_cast %add3A_276 : i32 to index
        %get3A_279 = arith.constant 0 : index
        %get3A_280 = tpu.vector_load %arg6[%get3A_277, %get3A_278, %get3A_279] {strides = array<i32>} : memref<4x1600x16xf32, #tpu.memory_space<vmem>>, vector<1x1x16xf32>,
        %get3A_281 = vector.shape_cast %get3A_280 : vector<1x1x16xf32> to vector<16xf32>
        %add3A_282 = arith.addf %scan3A_236, %get3A_281 : vector<16xf32>
        %add3A_283 = arith.constant 5 : i32
        %add3A_284 = arith.addi %add3A_243, %add3A_283 : i32
        %get3A_285 = arith.index_cast %rem3A_39 : i32 to index
        %get3A_286 = arith.index_cast %add3A_284 : i32 to index
        %get3A_287 = arith.constant 0 : index
        %get3A_288 = tpu.vector_load %arg6[%get3A_285, %get3A_286, %get3A_287] {strides = array<i32>} : memref<4x1600x16xf32, #tpu.memory_space<vmem>>, vector<1x1x16xf32>,
        %get3A_289 = vector.shape_cast %get3A_288 : vector<1x1x16xf32> to vector<16xf32>
        %add3A_290 = arith.addf %scan3A_237, %get3A_289 : vector<16xf32>
        %add3A_291 = arith.constant 6 : i32
        %add3A_292 = arith.addi %add3A_243, %add3A_291 : i32
        %get3A_293 = arith.index_cast %rem3A_39 : i32 to index
        %get3A_294 = arith.index_cast %add3A_292 : i32 to index
        %get3A_295 = arith.constant 0 : index
        %get3A_296 = tpu.vector_load %arg6[%get3A_293, %get3A_294, %get3A_295] {strides = array<i32>} : memref<4x1600x16xf32, #tpu.memory_space<vmem>>, vector<1x1x16xf32>,
        %get3A_297 = vector.shape_cast %get3A_296 : vector<1x1x16xf32> to vector<16xf32>
        %add3A_298 = arith.addf %scan3A_238, %get3A_297 : vector<16xf32>
        %add3A_299 = arith.constant 7 : i32
        %add3A_300 = arith.addi %add3A_243, %add3A_299 : i32
        %get3A_301 = arith.index_cast %rem3A_39 : i32 to index
        %get3A_302 = arith.index_cast %add3A_300 : i32 to index
        %get3A_303 = arith.constant 0 : index
        %get3A_304 = tpu.vector_load %arg6[%get3A_301, %get3A_302, %get3A_303] {strides = array<i32>} : memref<4x1600x16xf32, #tpu.memory_space<vmem>>, vector<1x1x16xf32>,
        %get3A_305 = vector.shape_cast %get3A_304 : vector<1x1x16xf32> to vector<16xf32>
        %add3A_306 = arith.addf %scan3A_239, %get3A_305 : vector<16xf32>
        scf.yield %add3A_250, %add3A_258, %add3A_266, %add3A_274, %add3A_282, %add3A_290, %add3A_298, %add3A_306 : vector<16xf32>, vector<16xf32>, vector<16xf32>, vector<16xf32>, vector<16xf32>, vector<16xf32>, vector<16xf32>, vector<16xf32>
      }
      %scan3A_170 = arith.constant 25 : i32
      %add3A_171 = arith.addf %scan3A_169#0, %scan3A_169#1 : vector<16xf32>
      %add3A_172 = arith.addf %scan3A_169#2, %scan3A_169#3 : vector<16xf32>
      %add3A_173 = arith.addf %add3A_171, %add3A_172 : vector<16xf32>
      %add3A_174 = arith.addf %scan3A_169#4, %scan3A_169#5 : vector<16xf32>
      %add3A_175 = arith.addf %scan3A_169#6, %scan3A_169#7 : vector<16xf32>
      %add3A_176 = arith.addf %add3A_174, %add3A_175 : vector<16xf32>
      %add3A_177 = arith.addf %add3A_173, %add3A_176 : vector<16xf32>
      %swap3A_178 = arith.constant 5 : i32
      %swap3A_179 = arith.index_cast %swap3A_178 : i32 to index
      %swap3A_180 = arith.constant 0 : index
      %swap3A_181 = tpu.vector_load %arg7[%swap3A_179, %swap3A_180] {strides = array<i32>} : memref<8x16xf32, #tpu.memory_space<vmem>>, vector<1x16xf32>,
      %swap3A_182 = vector.shape_cast %swap3A_181 : vector<1x16xf32> to vector<16xf32>
      %swap3A_183 = vector.shape_cast %add3A_177 : vector<16xf32> to vector<1x16xf32>
      tpu.vector_store %arg7[%swap3A_179, %swap3A_180], %swap3A_183 {strides = array<i32>} : memref<8x16xf32, #tpu.memory_space<vmem>>, vector<1x16xf32>,
      %broadcast_in_dim3A_184 = arith.constant 0.000000e+00 : f32
      %broadcast_in_dim3A_185 = vector.broadcast %broadcast_in_dim3A_184 : f32 to vector<16xf32>
      %scan3A_186 = arith.constant 0 : i32
      %scan3A_187 = arith.constant 25 : i32
      %scan3A_188 = arith.addi %scan3A_186, %scan3A_187 : i32
      %scan3A_189 = arith.constant 1 : i32
      %scan3A_190:8 = scf.for %scan3A_231 = %scan3A_186 to %scan3A_188 step %scan3A_189 iter_args(%scan3A_232 = %broadcast_in_dim3A_185, %scan3A_233 = %broadcast_in_dim3A_185, %scan3A_234 = %broadcast_in_dim3A_185, %scan3A_235 = %broadcast_in_dim3A_185, %scan3A_236 = %broadcast_in_dim3A_185, %scan3A_237 = %broadcast_in_dim3A_185, %scan3A_238 = %broadcast_in_dim3A_185, %scan3A_239 = %broadcast_in_dim3A_185) -> (vector<16xf32>, vector<16xf32>, vector<16xf32>, vector<16xf32>, vector<16xf32>, vector<16xf32>, vector<16xf32>, vector<16xf32>)  : i32 {
        %mul3A_240 = arith.constant 8 : i32
        %mul3A_241 = arith.muli %mul3A_240, %scan3A_231 : i32
        %add3A_242 = arith.constant 1200 : i32
        %add3A_243 = arith.addi %add3A_242, %mul3A_241 : i32
        %add3A_244 = arith.constant 0 : i32
        %add3A_245 = arith.addi %add3A_243, %add3A_244 : i32
        %get3A = arith.index_cast %rem3A_39 : i32 to index
        %get3A_246 = arith.index_cast %add3A_245 : i32 to index
        %get3A_247 = arith.constant 0 : index
        %get3A_248 = tpu.vector_load %arg6[%get3A, %get3A_246, %get3A_247] {strides = array<i32>} : memref<4x1600x16xf32, #tpu.memory_space<vmem>>, vector<1x1x16xf32>,
        %get3A_249 = vector.shape_cast %get3A_248 : vector<1x1x16xf32> to vector<16xf32>
        %add3A_250 = arith.addf %scan3A_232, %get3A_249 : vector<16xf32>
        %add3A_251 = arith.constant 1 : i32
        %add3A_252 = arith.addi %add3A_243, %add3A_251 : i32
        %get3A_253 = arith.index_cast %rem3A_39 : i32 to index
        %get3A_254 = arith.index_cast %add3A_252 : i32 to index
        %get3A_255 = arith.constant 0 : index
        %get3A_256 = tpu.vector_load %arg6[%get3A_253, %get3A_254, %get3A_255] {strides = array<i32>} : memref<4x1600x16xf32, #tpu.memory_space<vmem>>, vector<1x1x16xf32>,
        %get3A_257 = vector.shape_cast %get3A_256 : vector<1x1x16xf32> to vector<16xf32>
        %add3A_258 = arith.addf %scan3A_233, %get3A_257 : vector<16xf32>
        %add3A_259 = arith.constant 2 : i32
        %add3A_260 = arith.addi %add3A_243, %add3A_259 : i32
        %get3A_261 = arith.index_cast %rem3A_39 : i32 to index
        %get3A_262 = arith.index_cast %add3A_260 : i32 to index
        %get3A_263 = arith.constant 0 : index
        %get3A_264 = tpu.vector_load %arg6[%get3A_261, %get3A_262, %get3A_263] {strides = array<i32>} : memref<4x1600x16xf32, #tpu.memory_space<vmem>>, vector<1x1x16xf32>,
        %get3A_265 = vector.shape_cast %get3A_264 : vector<1x1x16xf32> to vector<16xf32>
        %add3A_266 = arith.addf %scan3A_234, %get3A_265 : vector<16xf32>
        %add3A_267 = arith.constant 3 : i32
        %add3A_268 = arith.addi %add3A_243, %add3A_267 : i32
        %get3A_269 = arith.index_cast %rem3A_39 : i32 to index
        %get3A_270 = arith.index_cast %add3A_268 : i32 to index
        %get3A_271 = arith.constant 0 : index
        %get3A_272 = tpu.vector_load %arg6[%get3A_269, %get3A_270, %get3A_271] {strides = array<i32>} : memref<4x1600x16xf32, #tpu.memory_space<vmem>>, vector<1x1x16xf32>,
        %get3A_273 = vector.shape_cast %get3A_272 : vector<1x1x16xf32> to vector<16xf32>
        %add3A_274 = arith.addf %scan3A_235, %get3A_273 : vector<16xf32>
        %add3A_275 = arith.constant 4 : i32
        %add3A_276 = arith.addi %add3A_243, %add3A_275 : i32
        %get3A_277 = arith.index_cast %rem3A_39 : i32 to index
        %get3A_278 = arith.index_cast %add3A_276 : i32 to index
        %get3A_279 = arith.constant 0 : index
        %get3A_280 = tpu.vector_load %arg6[%get3A_277, %get3A_278, %get3A_279] {strides = array<i32>} : memref<4x1600x16xf32, #tpu.memory_space<vmem>>, vector<1x1x16xf32>,
        %get3A_281 = vector.shape_cast %get3A_280 : vector<1x1x16xf32> to vector<16xf32>
        %add3A_282 = arith.addf %scan3A_236, %get3A_281 : vector<16xf32>
        %add3A_283 = arith.constant 5 : i32
        %add3A_284 = arith.addi %add3A_243, %add3A_283 : i32
        %get3A_285 = arith.index_cast %rem3A_39 : i32 to index
        %get3A_286 = arith.index_cast %add3A_284 : i32 to index
        %get3A_287 = arith.constant 0 : index
        %get3A_288 = tpu.vector_load %arg6[%get3A_285, %get3A_286, %get3A_287] {strides = array<i32>} : memref<4x1600x16xf32, #tpu.memory_space<vmem>>, vector<1x1x16xf32>,
        %get3A_289 = vector.shape_cast %get3A_288 : vector<1x1x16xf32> to vector<16xf32>
        %add3A_290 = arith.addf %scan3A_237, %get3A_289 : vector<16xf32>
        %add3A_291 = arith.constant 6 : i32
        %add3A_292 = arith.addi %add3A_243, %add3A_291 : i32
        %get3A_293 = arith.index_cast %rem3A_39 : i32 to index
        %get3A_294 = arith.index_cast %add3A_292 : i32 to index
        %get3A_295 = arith.constant 0 : index
        %get3A_296 = tpu.vector_load %arg6[%get3A_293, %get3A_294, %get3A_295] {strides = array<i32>} : memref<4x1600x16xf32, #tpu.memory_space<vmem>>, vector<1x1x16xf32>,
        %get3A_297 = vector.shape_cast %get3A_296 : vector<1x1x16xf32> to vector<16xf32>
        %add3A_298 = arith.addf %scan3A_238, %get3A_297 : vector<16xf32>
        %add3A_299 = arith.constant 7 : i32
        %add3A_300 = arith.addi %add3A_243, %add3A_299 : i32
        %get3A_301 = arith.index_cast %rem3A_39 : i32 to index
        %get3A_302 = arith.index_cast %add3A_300 : i32 to index
        %get3A_303 = arith.constant 0 : index
        %get3A_304 = tpu.vector_load %arg6[%get3A_301, %get3A_302, %get3A_303] {strides = array<i32>} : memref<4x1600x16xf32, #tpu.memory_space<vmem>>, vector<1x1x16xf32>,
        %get3A_305 = vector.shape_cast %get3A_304 : vector<1x1x16xf32> to vector<16xf32>
        %add3A_306 = arith.addf %scan3A_239, %get3A_305 : vector<16xf32>
        scf.yield %add3A_250, %add3A_258, %add3A_266, %add3A_274, %add3A_282, %add3A_290, %add3A_298, %add3A_306 : vector<16xf32>, vector<16xf32>, vector<16xf32>, vector<16xf32>, vector<16xf32>, vector<16xf32>, vector<16xf32>, vector<16xf32>
      }
      %scan3A_191 = arith.constant 25 : i32
      %add3A_192 = arith.addf %scan3A_190#0, %scan3A_190#1 : vector<16xf32>
      %add3A_193 = arith.addf %scan3A_190#2, %scan3A_190#3 : vector<16xf32>
      %add3A_194 = arith.addf %add3A_192, %add3A_193 : vector<16xf32>
      %add3A_195 = arith.addf %scan3A_190#4, %scan3A_190#5 : vector<16xf32>
      %add3A_196 = arith.addf %scan3A_190#6, %scan3A_190#7 : vector<16xf32>
      %add3A_197 = arith.addf %add3A_195, %add3A_196 : vector<16xf32>
      %add3A_198 = arith.addf %add3A_194, %add3A_197 : vector<16xf32>
      %swap3A_199 = arith.constant 6 : i32
      %swap3A_200 = arith.index_cast %swap3A_199 : i32 to index
      %swap3A_201 = arith.constant 0 : index
      %swap3A_202 = tpu.vector_load %arg7[%swap3A_200, %swap3A_201] {strides = array<i32>} : memref<8x16xf32, #tpu.memory_space<vmem>>, vector<1x16xf32>,
      %swap3A_203 = vector.shape_cast %swap3A_202 : vector<1x16xf32> to vector<16xf32>
      %swap3A_204 = vector.shape_cast %add3A_198 : vector<16xf32> to vector<1x16xf32>
      tpu.vector_store %arg7[%swap3A_200, %swap3A_201], %swap3A_204 {strides = array<i32>} : memref<8x16xf32, #tpu.memory_space<vmem>>, vector<1x16xf32>,
      %broadcast_in_dim3A_205 = arith.constant 0.000000e+00 : f32
      %broadcast_in_dim3A_206 = vector.broadcast %broadcast_in_dim3A_205 : f32 to vector<16xf32>
      %scan3A_207 = arith.constant 0 : i32
      %scan3A_208 = arith.constant 25 : i32
      %scan3A_209 = arith.addi %scan3A_207, %scan3A_208 : i32
      %scan3A_210 = arith.constant 1 : i32
      %scan3A_211:8 = scf.for %scan3A_231 = %scan3A_207 to %scan3A_209 step %scan3A_210 iter_args(%scan3A_232 = %broadcast_in_dim3A_206, %scan3A_233 = %broadcast_in_dim3A_206, %scan3A_234 = %broadcast_in_dim3A_206, %scan3A_235 = %broadcast_in_dim3A_206, %scan3A_236 = %broadcast_in_dim3A_206, %scan3A_237 = %broadcast_in_dim3A_206, %scan3A_238 = %broadcast_in_dim3A_206, %scan3A_239 = %broadcast_in_dim3A_206) -> (vector<16xf32>, vector<16xf32>, vector<16xf32>, vector<16xf32>, vector<16xf32>, vector<16xf32>, vector<16xf32>, vector<16xf32>)  : i32 {
        %mul3A_240 = arith.constant 8 : i32
        %mul3A_241 = arith.muli %mul3A_240, %scan3A_231 : i32
        %add3A_242 = arith.constant 1400 : i32
        %add3A_243 = arith.addi %add3A_242, %mul3A_241 : i32
        %add3A_244 = arith.constant 0 : i32
        %add3A_245 = arith.addi %add3A_243, %add3A_244 : i32
        %get3A = arith.index_cast %rem3A_39 : i32 to index
        %get3A_246 = arith.index_cast %add3A_245 : i32 to index
        %get3A_247 = arith.constant 0 : index
        %get3A_248 = tpu.vector_load %arg6[%get3A, %get3A_246, %get3A_247] {strides = array<i32>} : memref<4x1600x16xf32, #tpu.memory_space<vmem>>, vector<1x1x16xf32>,
        %get3A_249 = vector.shape_cast %get3A_248 : vector<1x1x16xf32> to vector<16xf32>
        %add3A_250 = arith.addf %scan3A_232, %get3A_249 : vector<16xf32>
        %add3A_251 = arith.constant 1 : i32
        %add3A_252 = arith.addi %add3A_243, %add3A_251 : i32
        %get3A_253 = arith.index_cast %rem3A_39 : i32 to index
        %get3A_254 = arith.index_cast %add3A_252 : i32 to index
        %get3A_255 = arith.constant 0 : index
        %get3A_256 = tpu.vector_load %arg6[%get3A_253, %get3A_254, %get3A_255] {strides = array<i32>} : memref<4x1600x16xf32, #tpu.memory_space<vmem>>, vector<1x1x16xf32>,
        %get3A_257 = vector.shape_cast %get3A_256 : vector<1x1x16xf32> to vector<16xf32>
        %add3A_258 = arith.addf %scan3A_233, %get3A_257 : vector<16xf32>
        %add3A_259 = arith.constant 2 : i32
        %add3A_260 = arith.addi %add3A_243, %add3A_259 : i32
        %get3A_261 = arith.index_cast %rem3A_39 : i32 to index
        %get3A_262 = arith.index_cast %add3A_260 : i32 to index
        %get3A_263 = arith.constant 0 : index
        %get3A_264 = tpu.vector_load %arg6[%get3A_261, %get3A_262, %get3A_263] {strides = array<i32>} : memref<4x1600x16xf32, #tpu.memory_space<vmem>>, vector<1x1x16xf32>,
        %get3A_265 = vector.shape_cast %get3A_264 : vector<1x1x16xf32> to vector<16xf32>
        %add3A_266 = arith.addf %scan3A_234, %get3A_265 : vector<16xf32>
        %add3A_267 = arith.constant 3 : i32
        %add3A_268 = arith.addi %add3A_243, %add3A_267 : i32
        %get3A_269 = arith.index_cast %rem3A_39 : i32 to index
        %get3A_270 = arith.index_cast %add3A_268 : i32 to index
        %get3A_271 = arith.constant 0 : index
        %get3A_272 = tpu.vector_load %arg6[%get3A_269, %get3A_270, %get3A_271] {strides = array<i32>} : memref<4x1600x16xf32, #tpu.memory_space<vmem>>, vector<1x1x16xf32>,
        %get3A_273 = vector.shape_cast %get3A_272 : vector<1x1x16xf32> to vector<16xf32>
        %add3A_274 = arith.addf %scan3A_235, %get3A_273 : vector<16xf32>
        %add3A_275 = arith.constant 4 : i32
        %add3A_276 = arith.addi %add3A_243, %add3A_275 : i32
        %get3A_277 = arith.index_cast %rem3A_39 : i32 to index
        %get3A_278 = arith.index_cast %add3A_276 : i32 to index
        %get3A_279 = arith.constant 0 : index
        %get3A_280 = tpu.vector_load %arg6[%get3A_277, %get3A_278, %get3A_279] {strides = array<i32>} : memref<4x1600x16xf32, #tpu.memory_space<vmem>>, vector<1x1x16xf32>,
        %get3A_281 = vector.shape_cast %get3A_280 : vector<1x1x16xf32> to vector<16xf32>
        %add3A_282 = arith.addf %scan3A_236, %get3A_281 : vector<16xf32>
        %add3A_283 = arith.constant 5 : i32
        %add3A_284 = arith.addi %add3A_243, %add3A_283 : i32
        %get3A_285 = arith.index_cast %rem3A_39 : i32 to index
        %get3A_286 = arith.index_cast %add3A_284 : i32 to index
        %get3A_287 = arith.constant 0 : index
        %get3A_288 = tpu.vector_load %arg6[%get3A_285, %get3A_286, %get3A_287] {strides = array<i32>} : memref<4x1600x16xf32, #tpu.memory_space<vmem>>, vector<1x1x16xf32>,
        %get3A_289 = vector.shape_cast %get3A_288 : vector<1x1x16xf32> to vector<16xf32>
        %add3A_290 = arith.addf %scan3A_237, %get3A_289 : vector<16xf32>
        %add3A_291 = arith.constant 6 : i32
        %add3A_292 = arith.addi %add3A_243, %add3A_291 : i32
        %get3A_293 = arith.index_cast %rem3A_39 : i32 to index
        %get3A_294 = arith.index_cast %add3A_292 : i32 to index
        %get3A_295 = arith.constant 0 : index
        %get3A_296 = tpu.vector_load %arg6[%get3A_293, %get3A_294, %get3A_295] {strides = array<i32>} : memref<4x1600x16xf32, #tpu.memory_space<vmem>>, vector<1x1x16xf32>,
        %get3A_297 = vector.shape_cast %get3A_296 : vector<1x1x16xf32> to vector<16xf32>
        %add3A_298 = arith.addf %scan3A_238, %get3A_297 : vector<16xf32>
        %add3A_299 = arith.constant 7 : i32
        %add3A_300 = arith.addi %add3A_243, %add3A_299 : i32
        %get3A_301 = arith.index_cast %rem3A_39 : i32 to index
        %get3A_302 = arith.index_cast %add3A_300 : i32 to index
        %get3A_303 = arith.constant 0 : index
        %get3A_304 = tpu.vector_load %arg6[%get3A_301, %get3A_302, %get3A_303] {strides = array<i32>} : memref<4x1600x16xf32, #tpu.memory_space<vmem>>, vector<1x1x16xf32>,
        %get3A_305 = vector.shape_cast %get3A_304 : vector<1x1x16xf32> to vector<16xf32>
        %add3A_306 = arith.addf %scan3A_239, %get3A_305 : vector<16xf32>
        scf.yield %add3A_250, %add3A_258, %add3A_266, %add3A_274, %add3A_282, %add3A_290, %add3A_298, %add3A_306 : vector<16xf32>, vector<16xf32>, vector<16xf32>, vector<16xf32>, vector<16xf32>, vector<16xf32>, vector<16xf32>, vector<16xf32>
      }
      %scan3A_212 = arith.constant 25 : i32
      %add3A_213 = arith.addf %scan3A_211#0, %scan3A_211#1 : vector<16xf32>
      %add3A_214 = arith.addf %scan3A_211#2, %scan3A_211#3 : vector<16xf32>
      %add3A_215 = arith.addf %add3A_213, %add3A_214 : vector<16xf32>
      %add3A_216 = arith.addf %scan3A_211#4, %scan3A_211#5 : vector<16xf32>
      %add3A_217 = arith.addf %scan3A_211#6, %scan3A_211#7 : vector<16xf32>
      %add3A_218 = arith.addf %add3A_216, %add3A_217 : vector<16xf32>
      %add3A_219 = arith.addf %add3A_215, %add3A_218 : vector<16xf32>
      %swap3A_220 = arith.constant 7 : i32
      %swap3A_221 = arith.index_cast %swap3A_220 : i32 to index
      %swap3A_222 = arith.constant 0 : index
      %swap3A_223 = tpu.vector_load %arg7[%swap3A_221, %swap3A_222] {strides = array<i32>} : memref<8x16xf32, #tpu.memory_space<vmem>>, vector<1x16xf32>,
      %swap3A_224 = vector.shape_cast %swap3A_223 : vector<1x16xf32> to vector<16xf32>
      %swap3A_225 = vector.shape_cast %add3A_219 : vector<16xf32> to vector<1x16xf32>
      tpu.vector_store %arg7[%swap3A_221, %swap3A_222], %swap3A_225 {strides = array<i32>} : memref<8x16xf32, #tpu.memory_space<vmem>>, vector<1x16xf32>,
      %mul3A_226 = arith.constant 128 : i32
      %mul3A_227 = arith.muli %add3A, %mul3A_226 : i32
      %mul3A_228 = arith.constant 8 : i32
      %mul3A_229 = arith.muli %scan3A_38, %mul3A_228 : i32
      %add3A_230 = arith.addi %mul3A_227, %mul3A_229 : i32
      "tpu.region"() ({
        %run_scoped3A_231 = tpu.sem_alloc : memref<!tpu.dma_semaphore, #tpu.memory_space<semaphore_mem>>
        %dma_start3A = arith.constant 0 : i32
        %dma_start3A_232 = tpu.memref_slice %arg4[%add3A_230, %dma_start3A] : memref<4096x16xf32, #tpu.memory_space<hbm>> -> memref<8x16xf32, #tpu.memory_space<hbm>>
        %dma_start3A_233 = arith.constant 0 : i32
        %dma_start3A_234 = tpu.memref_slice %arg4[%add3A_230, %dma_start3A_233] : memref<4096x16xf32, #tpu.memory_space<hbm>> -> memref<8x16xf32, #tpu.memory_space<hbm>>
        tpu.enqueue_dma source(%arg7 : memref<8x16xf32, #tpu.memory_space<vmem>>) target(%dma_start3A_234 : memref<8x16xf32, #tpu.memory_space<hbm>>) target_semaphore(%run_scoped3A_231 : memref<!tpu.dma_semaphore, #tpu.memory_space<semaphore_mem>>)
        %dma_wait3A_235 = arith.constant 0 : i32
        %dma_wait3A_236 = tpu.memref_slice %arg4[%add3A_230, %dma_wait3A_235] : memref<4096x16xf32, #tpu.memory_space<hbm>> -> memref<8x16xf32, #tpu.memory_space<hbm>>
        %dma_wait3A_237 = arith.constant 0 : i32
        %dma_wait3A_238 = tpu.memref_slice %arg4[%add3A_230, %dma_wait3A_237] : memref<4096x16xf32, #tpu.memory_space<hbm>> -> memref<8x16xf32, #tpu.memory_space<hbm>>
        tpu.wait_dma2 semaphore(%run_scoped3A_231 : memref<!tpu.dma_semaphore, #tpu.memory_space<semaphore_mem>>) src(%arg7 : memref<8x16xf32, #tpu.memory_space<vmem>>) dst(%dma_wait3A_238 : memref<8x16xf32, #tpu.memory_space<hbm>>)
        tpu.yield
      }) : () -> ()
    }
    %scan3A_37 = arith.constant 16 : i32
    return
  }
}

module attributes {stable_mosaic.version = 14 : i64} {
  func.func @_proj_body(%arg0: i32, %arg1: memref<2560x512xf32, #tpu.memory_space<vmem>>, %arg2: memref<64x16xf32, #tpu.memory_space<vmem>>, %arg3: memref<1x16xf32, #tpu.memory_space<vmem>>, %arg4: memref<2560x128xf32, #tpu.memory_space<vmem>>) attributes {dimension_semantics = [#tpu.dimension_semantics<arbitrary>], iteration_bounds = array<i64: 5>, scalar_prefetch = 0 : i64, scratch_operands = 0 : i64, tpu.core_type = #tpu.core_type<tc>, window_params = [{transform_indices = @transform_0, window_bounds = array<i64: 2560, 512>}, {pipeline_mode = #tpu.pipeline_mode<synchronous>, transform_indices = @transform_1, window_bounds = array<i64: 64, 16>}, {pipeline_mode = #tpu.pipeline_mode<synchronous>, transform_indices = @transform_2, window_bounds = array<i64: 1, 16>}, {transform_indices = @transform_3, window_bounds = array<i64: 2560, 128>}]} {
    %get3A = arith.constant 0 : index
    %get3A_0 = arith.constant 0 : index
    %get3A_1 = vector.load %arg2[%get3A, %get3A_0] : memref<64x16xf32, #tpu.memory_space<vmem>>, vector<64x16xf32>
    %concatenate3A = tpu.concatenate %get3A_1, %get3A_1, %get3A_1, %get3A_1, %get3A_1, %get3A_1, %get3A_1, %get3A_1 in 1 : vector<64x16xf32>, vector<64x16xf32>, vector<64x16xf32>, vector<64x16xf32>, vector<64x16xf32>, vector<64x16xf32>, vector<64x16xf32>, vector<64x16xf32> -> vector<64x128xf32>
    %concatenate3A_2 = tpu.concatenate %concatenate3A, %concatenate3A, %concatenate3A, %concatenate3A, %concatenate3A, %concatenate3A, %concatenate3A, %concatenate3A in 0 : vector<64x128xf32>, vector<64x128xf32>, vector<64x128xf32>, vector<64x128xf32>, vector<64x128xf32>, vector<64x128xf32>, vector<64x128xf32>, vector<64x128xf32> -> vector<512x128xf32>
    %iota3A = tpu.iota {dimensions = array<i32: 0>} : vector<512x128xi32>
    %jit3A = arith.constant 64 : i32
    %div3A = vector.broadcast %jit3A : i32 to vector<512x128xi32>
    %div3A_3 = arith.divsi %iota3A, %div3A : vector<512x128xi32>
    %sign3A = arith.constant 0 : i32
    %sign3A_4 = vector.broadcast %sign3A : i32 to vector<512x128xi32>
    %sign3A_5 = arith.cmpi sgt, %iota3A, %sign3A_4 : vector<512x128xi32>
    %sign3A_6 = arith.extui %sign3A_5 : vector<512x128xi1> to vector<512x128xi32>
    %sign3A_7 = arith.constant 0 : i32
    %sign3A_8 = vector.broadcast %sign3A_7 : i32 to vector<512x128xi32>
    %sign3A_9 = arith.cmpi slt, %iota3A, %sign3A_8 : vector<512x128xi32>
    %sign3A_10 = arith.extui %sign3A_9 : vector<512x128xi1> to vector<512x128xi32>
    %sign3A_11 = arith.subi %sign3A_6, %sign3A_10 : vector<512x128xi32>
    %sign3A_12 = arith.constant 0 : i32
    %sign3A_13 = arith.cmpi sgt, %jit3A, %sign3A_12 : i32
    %sign3A_14 = arith.extui %sign3A_13 : i1 to i32
    %sign3A_15 = arith.constant 0 : i32
    %sign3A_16 = arith.cmpi slt, %jit3A, %sign3A_15 : i32
    %sign3A_17 = arith.extui %sign3A_16 : i1 to i32
    %sign3A_18 = arith.subi %sign3A_14, %sign3A_17 : i32
    %ne3A = vector.broadcast %sign3A_18 : i32 to vector<512x128xi32>
    %ne3A_19 = arith.cmpi ne, %sign3A_11, %ne3A : vector<512x128xi32>
    %rem3A = vector.broadcast %jit3A : i32 to vector<512x128xi32>
    %rem3A_20 = arith.remsi %iota3A, %rem3A : vector<512x128xi32>
    %ne3A_21 = arith.constant 0 : i32
    %ne3A_22 = vector.broadcast %ne3A_21 : i32 to vector<512x128xi32>
    %ne3A_23 = arith.cmpi ne, %rem3A_20, %ne3A_22 : vector<512x128xi32>
    %and3A = arith.andi %ne3A_19, %ne3A_23 : vector<512x128xi1>
    %sub3A = arith.constant 1 : i32
    %sub3A_24 = vector.broadcast %sub3A : i32 to vector<512x128xi32>
    %sub3A_25 = arith.subi %div3A_3, %sub3A_24 : vector<512x128xi32>
    %select_n3A = arith.select %and3A, %sub3A_25, %div3A_3 : vector<512x128xi1>, vector<512x128xi32>
    %iota3A_26 = tpu.iota {dimensions = array<i32: 1>} : vector<512x128xi32>
    %jit3A_27 = arith.constant 16 : i32
    %div3A_28 = vector.broadcast %jit3A_27 : i32 to vector<512x128xi32>
    %div3A_29 = arith.divsi %iota3A_26, %div3A_28 : vector<512x128xi32>
    %sign3A_30 = arith.constant 0 : i32
    %sign3A_31 = vector.broadcast %sign3A_30 : i32 to vector<512x128xi32>
    %sign3A_32 = arith.cmpi sgt, %iota3A_26, %sign3A_31 : vector<512x128xi32>
    %sign3A_33 = arith.extui %sign3A_32 : vector<512x128xi1> to vector<512x128xi32>
    %sign3A_34 = arith.constant 0 : i32
    %sign3A_35 = vector.broadcast %sign3A_34 : i32 to vector<512x128xi32>
    %sign3A_36 = arith.cmpi slt, %iota3A_26, %sign3A_35 : vector<512x128xi32>
    %sign3A_37 = arith.extui %sign3A_36 : vector<512x128xi1> to vector<512x128xi32>
    %sign3A_38 = arith.subi %sign3A_33, %sign3A_37 : vector<512x128xi32>
    %sign3A_39 = arith.constant 0 : i32
    %sign3A_40 = arith.cmpi sgt, %jit3A_27, %sign3A_39 : i32
    %sign3A_41 = arith.extui %sign3A_40 : i1 to i32
    %sign3A_42 = arith.constant 0 : i32
    %sign3A_43 = arith.cmpi slt, %jit3A_27, %sign3A_42 : i32
    %sign3A_44 = arith.extui %sign3A_43 : i1 to i32
    %sign3A_45 = arith.subi %sign3A_41, %sign3A_44 : i32
    %ne3A_46 = vector.broadcast %sign3A_45 : i32 to vector<512x128xi32>
    %ne3A_47 = arith.cmpi ne, %sign3A_38, %ne3A_46 : vector<512x128xi32>
    %rem3A_48 = vector.broadcast %jit3A_27 : i32 to vector<512x128xi32>
    %rem3A_49 = arith.remsi %iota3A_26, %rem3A_48 : vector<512x128xi32>
    %ne3A_50 = arith.constant 0 : i32
    %ne3A_51 = vector.broadcast %ne3A_50 : i32 to vector<512x128xi32>
    %ne3A_52 = arith.cmpi ne, %rem3A_49, %ne3A_51 : vector<512x128xi32>
    %and3A_53 = arith.andi %ne3A_47, %ne3A_52 : vector<512x128xi1>
    %sub3A_54 = arith.constant 1 : i32
    %sub3A_55 = vector.broadcast %sub3A_54 : i32 to vector<512x128xi32>
    %sub3A_56 = arith.subi %div3A_29, %sub3A_55 : vector<512x128xi32>
    %select_n3A_57 = arith.select %and3A_53, %sub3A_56, %div3A_29 : vector<512x128xi1>, vector<512x128xi32>
    %eq3A = arith.cmpi eq, %select_n3A, %select_n3A_57 : vector<512x128xi32>
    %jit3A_58 = arith.constant 0.000000e+00 : f32
    %broadcast_in_dim3A = vector.broadcast %jit3A_58 : f32 to vector<512x128xf32>
    %select_n3A_59 = arith.select %eq3A, %concatenate3A_2, %broadcast_in_dim3A : vector<512x128xi1>, vector<512x128xf32>
    %get3A_60 = arith.constant 0 : index
    %get3A_61 = arith.constant 0 : index
    %get3A_62 = vector.load %arg3[%get3A_60, %get3A_61] : memref<1x16xf32, #tpu.memory_space<vmem>>, vector<1x16xf32>
    %concatenate3A_63 = tpu.concatenate %get3A_62, %get3A_62, %get3A_62, %get3A_62, %get3A_62, %get3A_62, %get3A_62, %get3A_62 in 1 : vector<1x16xf32>, vector<1x16xf32>, vector<1x16xf32>, vector<1x16xf32>, vector<1x16xf32>, vector<1x16xf32>, vector<1x16xf32>, vector<1x16xf32> -> vector<1x128xf32>
    %get3A_64 = arith.constant 0 : index
    %get3A_65 = arith.constant 0 : index
    %get3A_66 = vector.load %arg1[%get3A_64, %get3A_65] : memref<2560x512xf32, #tpu.memory_space<vmem>>, vector<2560x512xf32>
    %dot_general3A = arith.constant dense<0.000000e+00> : vector<2560x128xf32>
    %dot_general3A_67 = tpu.matmul %get3A_66, %select_n3A_59, %dot_general3A {dimension_numbers = #tpu.dot_dimension_numbers<[1], [0], [0], [1], [0, 0, 1, 1], [], []>, transpose_lhs_hint = false} : vector<2560x512xf32>, vector<512x128xf32>, vector<2560x128xf32> -> vector<2560x128xf32>
    %add3A = vector.broadcast %concatenate3A_63 : vector<1x128xf32> to vector<2560x128xf32>
    %add3A_68 = arith.addf %dot_general3A_67, %add3A : vector<2560x128xf32>
    %mul3A = arith.constant 5.000000e-03 : f32
    %mul3A_69 = vector.broadcast %mul3A : f32 to vector<2560x128xf32>
    %mul3A_70 = arith.mulf %add3A_68, %mul3A_69 : vector<2560x128xf32>
    %swap3A = arith.constant 0 : index
    %swap3A_71 = arith.constant 0 : index
    %swap3A_72 = vector.load %arg4[%swap3A, %swap3A_71] : memref<2560x128xf32, #tpu.memory_space<vmem>>, vector<2560x128xf32>
    tpu.vector_store %arg4[%swap3A, %swap3A_71], %mul3A_70 {strides = array<i32>} : memref<2560x128xf32, #tpu.memory_space<vmem>>, vector<2560x128xf32>,
    return
  }
  func.func @transform_0(%arg0: i32) -> (i32, i32) {
    %c0_i32 = arith.constant 0 : i32
    %c0_i32_0 = arith.constant 0 : i32
    return %arg0, %c0_i32 : i32, i32
  }
  func.func @transform_1(%arg0: i32) -> (i32, i32) {
    %c0_i32 = arith.constant 0 : i32
    %c0_i32_0 = arith.constant 0 : i32
    %c0_i32_1 = arith.constant 0 : i32
    return %c0_i32, %c0_i32_0 : i32, i32
  }
  func.func @transform_2(%arg0: i32) -> (i32, i32) {
    %c0_i32 = arith.constant 0 : i32
    %c0_i32_0 = arith.constant 0 : i32
    %c0_i32_1 = arith.constant 0 : i32
    return %c0_i32, %c0_i32_0 : i32, i32
  }
  func.func @transform_3(%arg0: i32) -> (i32, i32) {
    %c0_i32 = arith.constant 0 : i32
    %c0_i32_0 = arith.constant 0 : i32
    return %arg0, %c0_i32 : i32, i32
  }
}

</mosaic_0001>

<sc_bundles>
// kernel: kernel.4.cloned.1.call-start
scs
__scs_entry_jumppad:
0x0: {  	(pc) =	sbr.rel $0x88, $3  }
0x1: {  	(tag) =	ssettag $0x0;
	lr =	simm.s32 $0x1  }
0x2: {  	[smem:$0x3F9D] =	sst lr;
	_ =	strace $0xD0000000  }
0x3: {  	_ = 	snop  }
0x4: {  	_ = 	snop  }
0x5: {  	_ = 	snop  }
0x6: {  	_ = 	snop  }
0x7: {  	_ = 	snop  }
__scs_overlays_trampoline_lowered:
0x8: {  	[smem:$0x3FAC] =	sst s0  }
0x9: {  	[smem:$0x3FAD] =	sst s1  }
0xa: {  	[smem:$0x3FAE] =	sst s2  }
0xb: {  	[smem:$0x3FAF] =	sst s3  }
0xc: {  	[smem:$0x3FB0] =	sst s4  }
0xd: {  	[smem:$0x3FB1] =	sst s5  }
0xe: {  	[smem:$0x3FB2] =	sst s6  }
0xf: {  	[smem:$0x3FB3] =	sst s7  }
0x10: {  	[smem:$0x3FB4] =	sst s8  }
0x11: {  	[smem:$0x3FB5] =	sst s9;
	s0 =	simm.s32 @!p0 $0x0  }
0x12: {  	s1 =	sld [smem:$0x3F9B];
	s0 =	simm.s32 @p0 $0x1  }
0x13: {  	[smem:$0x3FB6] =	sst s0;
	s0 =	simm.s32 @!p1 $0x0  }
0x14: {  	s2 =	sld [smem:$0x3F9A];
	s0 =	simm.s32 @p1 $0x1  }
0x15: {  	[smem:$0x3FB7] =	sst s0;
	s0 =	simm.s32 @!p2 $0x0  }
0x16: {  	s3 =	sld [smem:$0x3FDB];
	s0 =	simm.s32 @p2 $0x1  }
0x17: {  	s4 =	simm.s32 $0x1BF5;
	[smem:$0x3FB9] =	sst s0  }
0x18: {  	s0 =	sld [smem:$0x3F9C];
	_ =	swait.ge [sflag:s4], $0x0  }
0x19: {  	s7 =	sld [smem:$0x3F9D]  }
0x1a: {  	s8 =	sadd.s32 $0xFFFFE003, lr  }
0x1b: {  	s9 =	sadd.s32 $0xFFFFFEF7, lr;
	s5 =	simm.s32 $0xFFFFFFFF;
	p2 =	slt.u32 s8, $0xFFFFF086  }
0x1c: {  	p1 =	slt.u32 s9, $0xF7A;
	s5 =	simm.s32 @!p2 $0x0  }
0x1d: {  	s5 =	simm.s32 @p1 $0x1;
	p0 =	seq.s32 s7, s2  }
0x1e: {  	s7 =	smul.u32 @!p0 $0xF7A, s2;
	p2 =	seq.s32 @!p0 s5, $0x0  }
0x1f: {  	s9 =	smul.u32 $0xF7A, s1;
	s8 =	simm.s32 @!p0 $0x1BF5;
	p2 =	por !p2, p0  }
0x20: {  	[sflag:s8] =	ssyncset.s32 @!p0 $0xFFFFF086;
	s6 =	sadd.s32 @!p0 s3, s7;
	s7 =	simm.s32 @!p0 $0x108  }
0x21: {  	s3 =	sadd.s32 s3, s9;
	s6 =	sadd.s32 @!p0 $0x88, s6;
	s7 =	simm.s32 @p2 $0x1082  }
0x22: {  	[simem:s7], [sflag:s8] =	dma.local @!p0 [hbm:s6], $0xF7A  }
0x23: {  	s9 =	sor.u32 $0xD0000000, s2;
	s6 =	simm.s32 $0x108;
	_ =	swait.ge @!p0 [sflag:s8], $0x0  }
0x24: {  	s3 =	sadd.s32 $0x88, s3;
	s6 =	simm.s32 @!p1 $0x1082;
	[sflag:s4] =	ssyncset.s32 $0xFFFFF086  }
0x25: {  	[simem:s6], [sflag:s4] =	dma.local [hbm:s3], $0xF7A  }
0x26: {  	[smem:$0x3F9D] =	sst s1;
	(tag) =	ssettag s2;
	_ =	strace s9  }
0x27: {  	s1 =	sld [smem:$0x3FAD]  }
0x28: {  	s2 =	sld [smem:$0x3FAE]  }
0x29: {  	s4 =	sld [smem:$0x3FB0]  }
0x2a: {  	p0 =	seq.s32 s5, $0x0;
	s5 =	sld [smem:$0x3FB1]  }
0x2b: {  	s6 =	sld [smem:$0x3FB2]  }
0x2c: {  	s7 =	sld [smem:$0x3FB3]  }
0x2d: {  	s3 =	simm.s32 $0x108;
	s8 =	sld [smem:$0x3FB4]  }
0x2e: {  	s3 =	simm.s32 @!p0 $0x1082;
	s9 =	sld [smem:$0x3FB5]  }
0x2f: {  	lr =	sadd.s32 s0, s3;
	s0 =	sld [smem:$0x3FAC]  }
0x30: {  	s3 =	sld [smem:$0x3FAF]  }
0x31: {  	[smem:$0x3FB8] =	sst s10  }
0x32: {  	s10 =	sld [smem:$0x3FB6];
	_ =	sdelay $0x3  }
0x33: {  	p0 =	seq.s32 s10, $0x1;
	s10 =	sld [smem:$0x3FB8];
	_ =	sdelay $0x3  }
0x34: {  	[smem:$0x3FB8] =	sst s10  }
0x35: {  	s10 =	sld [smem:$0x3FB7];
	_ =	sdelay $0x3  }
0x36: {  	p1 =	seq.s32 s10, $0x1;
	s10 =	sld [smem:$0x3FB8];
	_ =	sdelay $0x3  }
0x37: {  	[smem:$0x3FB8] =	sst s10  }
0x38: {  	s10 =	sld [smem:$0x3FB9]  }
0x39: {  	_ = 	snop;
	(pc) =	sbr.ind lr, $3  }
0x3a: {  	_ = 	snop  }
0x3b: {  	_ = 	snop  }
0x3c: {  	p2 =	seq.s32 s10, $0x1;
	s10 =	sld [smem:$0x3FB8]  }
0x3d: {  	_ =	shalt  }
0x3e: {  	_ =	shalt  }
0x3f: {  	_ =	shalt  }
0x40: {  	_ =	shalt  }
0x41: {  	_ =	shalt  }
0x42: {  	_ =	shalt  }
0x43: {  	_ =	shalt  }
0x44: {  	_ =	shalt  }
0x45: {  	_ =	shalt  }
0x46: {  	_ =	shalt  }
0x47: {  	_ =	shalt  }
0x48: {  	_ =	shalt  }
0x49: {  	_ =	shalt  }
0x4a: {  	_ =	shalt  }
0x4b: {  	_ =	shalt  }
0x4c: {  	_ =	shalt  }
0x4d: {  	_ =	shalt  }
0x4e: {  	_ =	shalt  }
0x4f: {  	_ =	shalt  }
0x50: {  	_ =	shalt  }
0x51: {  	_ =	shalt  }
0x52: {  	_ =	shalt  }
0x53: {  	_ =	shalt  }
0x54: {  	_ =	shalt  }
0x55: {  	_ =	shalt  }
0x56: {  	_ =	shalt  }
0x57: {  	_ =	shalt  }
0x58: {  	_ =	shalt  }
0x59: {  	_ =	shalt  }
0x5a: {  	_ =	shalt  }
0x5b: {  	_ =	shalt  }
0x5c: {  	_ =	shalt  }
0x5d: {  	_ =	shalt  }
0x5e: {  	_ =	shalt  }
0x5f: {  	_ =	shalt  }
0x60: {  	_ =	shalt  }
0x61: {  	_ =	shalt  }
0x62: {  	_ =	shalt  }
0x63: {  	_ =	shalt  }
0x64: {  	_ =	shalt  }
0x65: {  	_ =	shalt  }
0x66: {  	_ =	shalt  }
0x67: {  	_ =	shalt  }
0x68: {  	_ =	shalt  }
0x69: {  	_ =	shalt  }
0x6a: {  	_ =	shalt  }
0x6b: {  	_ =	shalt  }
0x6c: {  	_ =	shalt  }
0x6d: {  	_ =	shalt  }
0x6e: {  	_ =	shalt  }
0x6f: {  	_ =	shalt  }
0x70: {  	_ =	shalt  }
0x71: {  	_ =	shalt  }
0x72: {  	_ =	shalt  }
0x73: {  	_ =	shalt  }
0x74: {  	_ =	shalt  }
0x75: {  	_ =	shalt  }
0x76: {  	_ =	shalt  }
0x77: {  	_ =	shalt  }
0x78: {  	_ =	shalt  }
0x79: {  	_ =	shalt  }
0x7a: {  	_ =	shalt  }
0x7b: {  	_ =	shalt  }
0x7c: {  	_ =	shalt  }
0x7d: {  	_ =	shalt  }
0x7e: {  	_ =	shalt  }
0x7f: {  	_ =	shalt  }
0x80: {  	_ =	shalt  }
0x81: {  	_ =	shalt  }
0x82: {  	_ =	shalt  }
0x83: {  	_ =	shalt  }
0x84: {  	_ =	shalt  }
0x85: {  	_ =	shalt  }
0x86: {  	_ =	shalt  }
0x87: {  	_ =	shalt  }
.Lfunc_end0:
.L_simem_size_0:
called_computation_lowered:
.L_overlay_start_0:
0x88: {  	s2 =	sld [smem:$0x3FD9]  }
0x89: {  	s3 =	sld [smem:$0x3FFE];
	_ =	sdelay $0x1  }
0x8a: {  	s1 =	srdreg.scid  }
0x8b: {  	s0 =	sand.u32 $0x1, s1  }
0x8c: {  	s16 =	sshll.u32 s0, $0xA;
	s2 =	sadd.s32 s3, s2  }
0x8d: {  	s2 =	sadd.s32 s2, s16  }
0x8e: {  	[smem:$0x3FC4] =	sst s2  }
0x8f: {  	_ = 	snop  }
0x90: {  	(tm) =	ssettm $0x1  }
0x91: {  	s17 =	sld [smem:$0x3FFB];
	_ =	sdelay $0x3  }
0x92: {  	_ =	strace s17  }
0x93: {  	s2 =	sld [smem:$0x3FFC];
	_ =	sdelay $0x3  }
0x94: {  	_ =	strace s2  }
0x95: {  	s2 =	sld [smem:$0x3FFD];
	_ =	sdelay $0x3  }
0x96: {  	_ =	strace s2  }
0x97: {  	_ =	strace $0x8FFFFFFF  }
0x98: {  	s18 =	sld [smem:$0x3FDB];
	_ =	sdelay $0x1  }
0x99: {  	s19 =	simm.s32 $_scs_section_size  }
0x9a: {  	s4 =	simm.s32 $_size__tile_overlayer_lowered;
	s5 =	simm.s32 $_tile_overlayer_lowered  }
0x9b: {  	s22 =	simm.s32 $0x1BFF;
	s21 =	sshll.u32 s5, $0x1;
	s2 =	sadd.s32 s19, s18  }
0x9c: {  	s6 =	simm.s32 $0x0;
	s20 =	sshll.u32 s4, $0x1;
	s4 =	sadd.s32 s21, s2  }
0x9d: {  	[timem:s6], [sflag:s22] =	dma.local [hbm:s4], s20  }
0x9e: {  	_ =	swait.ge [sflag:s22], s20  }
0x9f: {  	s3 =	ssub.s32 $0x0, s20;
	[sflag:s22] =	ssyncset.done $0x0  }
0xa0: {  	[sflag:s22] =	ssyncadd.s32 s3;
	_ =	sdelay $0x1  }
0xa1: {  	s23 =	simm.s32 $0x1B8B  }
0xa2: {  	_ =	swait.ge [sflag:s23], $0x1  }
0xa3: {  	[sflag:s23] =	ssyncset.done $0x0  }
0xa4: {  	s25 =	simm.s32 $0x1B8E;
	s24 =	sld [smem:$0x3FFE];
	[sflag:s23] =	ssyncadd.s32 $0xFFFFFFFF  }
0xa5: {  	s26 =	simm.s32 $execute0_lowered;
	[smem:$0x3FD2] =	sst s25  }
0xa6: {  	s4 =	sshll.u32 s26, $0x1;
	_ =	strace $0x80000046;
	[dreg:$0x1] =	wrdreg $0xFFFFFFFF  }
0xa7: {  	s28 =	simm.s32 $_size_execute0_lowered;
	s2 =	sadd.s32 s2, s4;
	[dreg:$0x0] =	wrdreg $0x0  }
0xa8: {  	s4 =	sshll.u32 s28, $0x1;
	[dreg:$0x2] =	wrdreg s2  }
0xa9: {  	[dreg:$0x3] =	wrdreg s4  }
0xaa: {  	[dreg:$0x4] =	wrdreg $0xC0  }
0xab: {  	_ =	task [dreg:s6], $0x5FFFF  }
0xac: {  	[dreg:$0x1] =	wrdreg $0xFFFFFFFF  }
0xad: {  	[dreg:$0x0] =	wrdreg $0x60  }
0xae: {  	[dreg:$0x2] =	wrdreg s24  }
0xaf: {  	[dreg:$0x3] =	wrdreg $0x9  }
0xb0: {  	_ =	task.clear_ibuf [dreg:s6], $0x4FFFF;
	_ =	strace $0x90000046  }
0xb1: {  	s29 =	simm.s32 $0x9;
	_ =	strace $0x80000048  }
0xb2: {  	_ =	swait.ge [sflag:s29], $0x1  }
0xb3: {  	[sflag:s29] =	ssyncadd.s32 $0xFFFFFFFF  }
0xb4: {  	_ =	strace $0x90000048  }
0xb5: {  	_ =	sfence  }
0xb6: {  	s30 =	sld [smem:$0x0];
	_ =	sdelay $0x2  }
0xb7: {  	s31 =	sshll.u32 s1, $0xD;
	s1 =	sshrl.u32 s1, $0x2  }
0xb8: {  	s3 =	sand.u32 $0x4000, s31;
	s1 =	sadd.s32 s1, s30  }
0xb9: {  	s0 =	sor.u32 s3, s0;
	s1 =	sshll.u32 s1, $0x11  }
0xba: {  	s0 =	sor.u32 s1, s0  }
0xbb: {  	s0 =	sadd.s32 $0x8F2B, s0  }
0xbc: {  	[sflag:s0] =	ssyncadd.remote.s32 $0x1  }
0xbd: {  	_ =	sfence.sel $0xFFFF  }
0xbe: {  	[dreg:$0x0] =	wrdreg $0xFFFFFFFF;
	(pc) =	sbr.abs _section_cstart, $3  }
0xbf: {  	[dreg:$0x1] =	wrdreg $0xFFFFFFFF  }
0xc0: {  	_ =	task.clear_ibuf [dreg:s6], $0x2FFFF;
	_ =	strace $0x9FFFFFFF  }
0xc1: {  	(tm) =	ssettm $0x7FFFFFFF  }
tec
execute0_lowered:
.L_overlay_start_1:
0x0: {  	(tag) =	ssettag $0x1  }
0x1: {  	s0 =	rddreg [dreg:$0x0]  }
0x2: {  	s1 =	srdreg.scid;
	s3 =	stileid.u32;
	s2 =	simm.s32 $0x0  }
0x3: {  	s11 =	simm.s32 $0x5;
	s12 =	simm.s32 $0x64;
	s24 =	simm.s32 $0x680  }
0x4: {  	s17 =	simm.s32 $0xD00;
	s28 =	simm.s32 $0x13340;
	s29 =	simm.s32 $0x12B0  }
0x5: {  	s30 =	simm.s32 $0x13980;
	s31 =	simm.s32 $0x1318;
	s13 =	simm.s32 $0x0  }
0x6: {  	s1 =	sand.u32 $0x1, s1;
	s3 =	sshll.u32 s3, $0x1;
	[smem:$0x7FF] =	sst s2  }
0x7: {  	s5 =	sor.u32 s1, s3;
	_ =	strace $0x80000047;
	s3 =	sadd.s32 $0x1A800, s0  }
0x8: {  	s1 =	ssub.s32 $0x2, s1;
	s6 =	smul.u32 $0xD00, s5;
	s4 =	sshll.u32 s5, $0x8  }
0x9: {  	s7 =	smul.u32 $0x6800, s5;
	s5 =	sadd.s32 $0x800, s0;
	s8 =	sshrl.u32 s1, $0x1  }
0xa: {  	s0 =	sadd.s32 s4, s0;
	s1 =	ssub.s32 s1, s8;
	s6 =	sadd.s32 s5, s6  }
0xb: {  	s9 =	sshrl.u32 s7, $0x3;
	s10 =	smax.u32 s1, $0x1;
	s1 =	simm.s32 $0x1AA00  }
0xc: {  	s7 =	sadd.s32 $0xD0, s6;
	s26 =	sadd.s32 s5, s9;
	s9 =	sadd.s32 $0x4B600, s0  }
0xd: {  	s0 =	simm.s32 $0x13FC0;
	s8 =	sadd.s32 $0x1A0, s26;
	s26 =	simm.s32 $0x0  }
.LBB2_1:
0xe: {  	[tilespmem:s2], [sflag:$0x5] =	stream.linear.gather [hbm4b:s6+s2], $0x680, $0x38;
	[tilespmem:$0x1AA80] =	vst v63  }
0xf: {  	_ =	swait.ge [sflag:s11], $0x680  }
0x10: {  	[sflag:s11] =	ssyncset.done $0x0  }
0x11: {  	s14 =	simm.s32 $0x1A00;
	[sflag:s11] =	ssyncadd.s32 $0xFFFFF980  }
0x12: {  	[tilespmem:s14], [sflag:$0x1] =	stream.indirect.gather [hbm4b:s3+s12], $0x10, s2, s12, $0xb8;
	[tilespmem:$0x1AA80] =	vst v63  }
0x13: {  	s22 =	simm.s32 $0x68;
	s15 =	simm.s32 $0x2040  }
0x14: {  	[tilespmem:s15], [sflag:$0x1] =	stream.indirect.gather [hbm4b:s3+s12], $0x10, s22, s12, $0xb8;
	[tilespmem:$0x1AA80] =	vst v63  }
0x15: {  	s23 =	simm.s32 $0xD0;
	s25 =	simm.s32 $0x2680  }
0x16: {  	[tilespmem:s25], [sflag:$0x1] =	stream.indirect.gather [hbm4b:s3+s12], $0x10, s23, s12, $0xb8;
	[tilespmem:$0x1AA80] =	vst v63  }
0x17: {  	s16 =	simm.s32 $0x138;
	s18 =	simm.s32 $0x2CC0  }
0x18: {  	[tilespmem:s18], [sflag:$0x1] =	stream.indirect.gather [hbm4b:s3+s12], $0x10, s16, s12, $0xb8;
	[tilespmem:$0x1AA80] =	vst v63  }
0x19: {  	s19 =	simm.s32 $0x1A0;
	s20 =	simm.s32 $0x3300  }
0x1a: {  	[tilespmem:s20], [sflag:$0x1] =	stream.indirect.gather [hbm4b:s3+s12], $0x10, s19, s12, $0xb8;
	[tilespmem:$0x1AA80] =	vst v63  }
0x1b: {  	s21 =	simm.s32 $0x208;
	s22 =	simm.s32 $0x3940  }
0x1c: {  	[tilespmem:s22], [sflag:$0x1] =	stream.indirect.gather [hbm4b:s3+s12], $0x10, s21, s12, $0xb8;
	[tilespmem:$0x1AA80] =	vst v63  }
0x1d: {  	s23 =	simm.s32 $0x270;
	s25 =	simm.s32 $0x3F80  }
0x1e: {  	[tilespmem:s25], [sflag:$0x1] =	stream.indirect.gather [hbm4b:s3+s12], $0x10, s23, s12, $0xb8;
	[tilespmem:$0x1AA80] =	vst v63  }
0x1f: {  	s16 =	simm.s32 $0x2D8;
	s18 =	simm.s32 $0x45C0  }
0x20: {  	[tilespmem:s18], [sflag:$0x1] =	stream.indirect.gather [hbm4b:s3+s12], $0x10, s16, s12, $0xb8;
	[tilespmem:$0x1AA80] =	vst v63  }
0x21: {  	s19 =	simm.s32 $0x340;
	s20 =	simm.s32 $0x4C00  }
0x22: {  	[tilespmem:s20], [sflag:$0x1] =	stream.indirect.gather [hbm4b:s3+s12], $0x10, s19, s12, $0xb8;
	[tilespmem:$0x1AA80] =	vst v63  }
0x23: {  	s21 =	simm.s32 $0x3A8;
	s22 =	simm.s32 $0x5240  }
0x24: {  	[tilespmem:s22], [sflag:$0x1] =	stream.indirect.gather [hbm4b:s3+s12], $0x10, s21, s12, $0xb8;
	[tilespmem:$0x1AA80] =	vst v63  }
0x25: {  	s23 =	simm.s32 $0x410;
	s25 =	simm.s32 $0x5880  }
0x26: {  	[tilespmem:s25], [sflag:$0x1] =	stream.indirect.gather [hbm4b:s3+s12], $0x10, s23, s12, $0xb8;
	[tilespmem:$0x1AA80] =	vst v63  }
0x27: {  	s16 =	simm.s32 $0x478;
	s18 =	simm.s32 $0x5EC0  }
0x28: {  	[tilespmem:s18], [sflag:$0x1] =	stream.indirect.gather [hbm4b:s3+s12], $0x10, s16, s12, $0xb8;
	[tilespmem:$0x1AA80] =	vst v63  }
0x29: {  	s19 =	simm.s32 $0x4E0;
	s20 =	simm.s32 $0x6500  }
0x2a: {  	[tilespmem:s20], [sflag:$0x1] =	stream.indirect.gather [hbm4b:s3+s12], $0x10, s19, s12, $0xb8;
	[tilespmem:$0x1AA80] =	vst v63  }
0x2b: {  	s21 =	simm.s32 $0x548;
	s22 =	simm.s32 $0x6B40  }
0x2c: {  	[tilespmem:s22], [sflag:$0x1] =	stream.indirect.gather [hbm4b:s3+s12], $0x10, s21, s12, $0xb8;
	[tilespmem:$0x1AA80] =	vst v63  }
0x2d: {  	s23 =	simm.s32 $0x5B0;
	s25 =	simm.s32 $0x7180  }
0x2e: {  	[tilespmem:s25], [sflag:$0x1] =	stream.indirect.gather [hbm4b:s3+s12], $0x10, s23, s12, $0xb8;
	[tilespmem:$0x1AA80] =	vst v63  }
0x2f: {  	s15 =	simm.s32 $0x618;
	s16 =	simm.s32 $0x77C0  }
0x30: {  	[tilespmem:s16], [sflag:$0x1] =	stream.indirect.gather [hbm4b:s3+s12], $0x10, s15, s12, $0xb8;
	[tilespmem:$0x1AA80] =	vst v63  }
0x31: {  	_ = 	snop  }
0x32: {  	[tilespmem:s24], [sflag:$0x5] =	stream.linear.gather [hbm4b:s7+s2], $0x680, $0x38;
	[tilespmem:$0x1AA80] =	vst v63  }
0x33: {  	_ =	swait.ge [sflag:s11], $0x680  }
0x34: {  	[sflag:s11] =	ssyncset.done $0x0  }
0x35: {  	s18 =	simm.s32 $0x7E00;
	[sflag:s11] =	ssyncadd.s32 $0xFFFFF980  }
0x36: {  	[tilespmem:s18], [sflag:$0x2] =	stream.indirect.gather [hbm4b:s3+s12], $0x10, s24, s12, $0xb8;
	[tilespmem:$0x1AA80] =	vst v63  }
0x37: {  	s19 =	simm.s32 $0x6E8;
	s20 =	simm.s32 $0x8440  }
0x38: {  	[tilespmem:s20], [sflag:$0x2] =	stream.indirect.gather [hbm4b:s3+s12], $0x10, s19, s12, $0xb8;
	[tilespmem:$0x1AA80] =	vst v63  }
0x39: {  	s21 =	simm.s32 $0x750;
	s22 =	simm.s32 $0x8A80  }
0x3a: {  	[tilespmem:s22], [sflag:$0x2] =	stream.indirect.gather [hbm4b:s3+s12], $0x10, s21, s12, $0xb8;
	[tilespmem:$0x1AA80] =	vst v63  }
0x3b: {  	s23 =	simm.s32 $0x7B8;
	s25 =	simm.s32 $0x90C0  }
0x3c: {  	[tilespmem:s25], [sflag:$0x2] =	stream.indirect.gather [hbm4b:s3+s12], $0x10, s23, s12, $0xb8;
	[tilespmem:$0x1AA80] =	vst v63  }
0x3d: {  	s16 =	simm.s32 $0x820;
	s18 =	simm.s32 $0x9700  }
0x3e: {  	[tilespmem:s18], [sflag:$0x2] =	stream.indirect.gather [hbm4b:s3+s12], $0x10, s16, s12, $0xb8;
	[tilespmem:$0x1AA80] =	vst v63  }
0x3f: {  	s19 =	simm.s32 $0x888;
	s20 =	simm.s32 $0x9D40  }
0x40: {  	[tilespmem:s20], [sflag:$0x2] =	stream.indirect.gather [hbm4b:s3+s12], $0x10, s19, s12, $0xb8;
	[tilespmem:$0x1AA80] =	vst v63  }
0x41: {  	s21 =	simm.s32 $0x8F0;
	s22 =	simm.s32 $0xA380  }
0x42: {  	[tilespmem:s22], [sflag:$0x2] =	stream.indirect.gather [hbm4b:s3+s12], $0x10, s21, s12, $0xb8;
	[tilespmem:$0x1AA80] =	vst v63  }
0x43: {  	s23 =	simm.s32 $0x958;
	s25 =	simm.s32 $0xA9C0  }
0x44: {  	[tilespmem:s25], [sflag:$0x2] =	stream.indirect.gather [hbm4b:s3+s12], $0x10, s23, s12, $0xb8;
	[tilespmem:$0x1AA80] =	vst v63  }
0x45: {  	s16 =	simm.s32 $0x9C0;
	s18 =	simm.s32 $0xB000  }
0x46: {  	[tilespmem:s18], [sflag:$0x2] =	stream.indirect.gather [hbm4b:s3+s12], $0x10, s16, s12, $0xb8;
	[tilespmem:$0x1AA80] =	vst v63  }
0x47: {  	s19 =	simm.s32 $0xA28;
	s20 =	simm.s32 $0xB640  }
0x48: {  	[tilespmem:s20], [sflag:$0x2] =	stream.indirect.gather [hbm4b:s3+s12], $0x10, s19, s12, $0xb8;
	[tilespmem:$0x1AA80] =	vst v63  }
0x49: {  	s21 =	simm.s32 $0xA90;
	s22 =	simm.s32 $0xBC80  }
0x4a: {  	[tilespmem:s22], [sflag:$0x2] =	stream.indirect.gather [hbm4b:s3+s12], $0x10, s21, s12, $0xb8;
	[tilespmem:$0x1AA80] =	vst v63  }
0x4b: {  	s23 =	simm.s32 $0xAF8;
	s25 =	simm.s32 $0xC2C0  }
0x4c: {  	[tilespmem:s25], [sflag:$0x2] =	stream.indirect.gather [hbm4b:s3+s12], $0x10, s23, s12, $0xb8;
	[tilespmem:$0x1AA80] =	vst v63  }
0x4d: {  	s16 =	simm.s32 $0xB60;
	s18 =	simm.s32 $0xC900  }
0x4e: {  	[tilespmem:s18], [sflag:$0x2] =	stream.indirect.gather [hbm4b:s3+s12], $0x10, s16, s12, $0xb8;
	[tilespmem:$0x1AA80] =	vst v63  }
0x4f: {  	s19 =	simm.s32 $0xBC8;
	s20 =	simm.s32 $0xCF40  }
0x50: {  	[tilespmem:s20], [sflag:$0x2] =	stream.indirect.gather [hbm4b:s3+s12], $0x10, s19, s12, $0xb8;
	[tilespmem:$0x1AA80] =	vst v63  }
0x51: {  	s21 =	simm.s32 $0xC30;
	s22 =	simm.s32 $0xD580  }
0x52: {  	[tilespmem:s22], [sflag:$0x2] =	stream.indirect.gather [hbm4b:s3+s12], $0x10, s21, s12, $0xb8;
	[tilespmem:$0x1AA80] =	vst v63  }
0x53: {  	s23 =	simm.s32 $0xC98;
	s25 =	simm.s32 $0xDBC0  }
0x54: {  	[tilespmem:s25], [sflag:$0x2] =	stream.indirect.gather [hbm4b:s3+s12], $0x10, s23, s12, $0xb8;
	[tilespmem:$0x1AA80] =	vst v63  }
0x55: {  	_ = 	snop  }
0x56: {  	[tilespmem:s17], [sflag:$0x5] =	stream.linear.gather [hbm4b:s8+s2], $0x680, $0x38;
	[tilespmem:$0x1AA80] =	vst v63  }
0x57: {  	_ =	swait.ge [sflag:s11], $0x680  }
0x58: {  	[sflag:s11] =	ssyncset.done $0x0  }
0x59: {  	s15 =	simm.s32 $0xE200;
	[sflag:s11] =	ssyncadd.s32 $0xFFFFF980  }
0x5a: {  	[tilespmem:s15], [sflag:$0x3] =	stream.indirect.gather [hbm4b:s3+s12], $0x10, s17, s12, $0xb8;
	[tilespmem:$0x1AA80] =	vst v63  }
0x5b: {  	s16 =	simm.s32 $0xD68;
	s18 =	simm.s32 $0xE840  }
0x5c: {  	[tilespmem:s18], [sflag:$0x3] =	stream.indirect.gather [hbm4b:s3+s12], $0x10, s16, s12, $0xb8;
	[tilespmem:$0x1AA80] =	vst v63  }
0x5d: {  	s19 =	simm.s32 $0xDD0;
	s20 =	simm.s32 $0xEE80  }
0x5e: {  	[tilespmem:s20], [sflag:$0x3] =	stream.indirect.gather [hbm4b:s3+s12], $0x10, s19, s12, $0xb8;
	[tilespmem:$0x1AA80] =	vst v63  }
0x5f: {  	s21 =	simm.s32 $0xE38;
	s22 =	simm.s32 $0xF4C0  }
0x60: {  	[tilespmem:s22], [sflag:$0x3] =	stream.indirect.gather [hbm4b:s3+s12], $0x10, s21, s12, $0xb8;
	[tilespmem:$0x1AA80] =	vst v63  }
0x61: {  	s23 =	simm.s32 $0xEA0;
	s25 =	simm.s32 $0xFB00  }
0x62: {  	[tilespmem:s25], [sflag:$0x3] =	stream.indirect.gather [hbm4b:s3+s12], $0x10, s23, s12, $0xb8;
	[tilespmem:$0x1AA80] =	vst v63  }
0x63: {  	s16 =	simm.s32 $0xF08;
	s18 =	simm.s32 $0x10140  }
0x64: {  	[tilespmem:s18], [sflag:$0x3] =	stream.indirect.gather [hbm4b:s3+s12], $0x10, s16, s12, $0xb8;
	[tilespmem:$0x1AA80] =	vst v63  }
0x65: {  	s19 =	simm.s32 $0xF70;
	s20 =	simm.s32 $0x10780  }
0x66: {  	[tilespmem:s20], [sflag:$0x3] =	stream.indirect.gather [hbm4b:s3+s12], $0x10, s19, s12, $0xb8;
	[tilespmem:$0x1AA80] =	vst v63  }
0x67: {  	s21 =	simm.s32 $0xFD8;
	s22 =	simm.s32 $0x10DC0  }
0x68: {  	[tilespmem:s22], [sflag:$0x3] =	stream.indirect.gather [hbm4b:s3+s12], $0x10, s21, s12, $0xb8;
	[tilespmem:$0x1AA80] =	vst v63  }
0x69: {  	s23 =	simm.s32 $0x1040;
	s25 =	simm.s32 $0x11400  }
0x6a: {  	[tilespmem:s25], [sflag:$0x3] =	stream.indirect.gather [hbm4b:s3+s12], $0x10, s23, s12, $0xb8;
	[tilespmem:$0x1AA80] =	vst v63  }
0x6b: {  	s15 =	simm.s32 $0x10A8;
	s16 =	simm.s32 $0x11A40  }
0x6c: {  	[tilespmem:s16], [sflag:$0x3] =	stream.indirect.gather [hbm4b:s3+s12], $0x10, s15, s12, $0xb8;
	[tilespmem:$0x1AA80] =	vst v63  }
0x6d: {  	s18 =	simm.s32 $0x1110;
	s19 =	simm.s32 $0x12080  }
0x6e: {  	[tilespmem:s19], [sflag:$0x3] =	stream.indirect.gather [hbm4b:s3+s12], $0x10, s18, s12, $0xb8;
	[tilespmem:$0x1AA80] =	vst v63  }
0x6f: {  	s20 =	simm.s32 $0x1178;
	s21 =	simm.s32 $0x126C0  }
0x70: {  	[tilespmem:s21], [sflag:$0x3] =	stream.indirect.gather [hbm4b:s3+s12], $0x10, s20, s12, $0xb8;
	[tilespmem:$0x1AA80] =	vst v63  }
0x71: {  	s22 =	simm.s32 $0x11E0;
	s23 =	simm.s32 $0x12D00  }
0x72: {  	[tilespmem:s23], [sflag:$0x3] =	stream.indirect.gather [hbm4b:s3+s12], $0x10, s22, s12, $0xb8;
	[tilespmem:$0x1AA80] =	vst v63  }
0x73: {  	s25 =	simm.s32 $0x1248  }
0x74: {  	[tilespmem:s28], [sflag:$0x3] =	stream.indirect.gather [hbm4b:s3+s12], $0x10, s25, s12, $0xb8;
	[tilespmem:$0x1AA80] =	vst v63  }
0x75: {  	_ = 	snop  }
0x76: {  	[tilespmem:s30], [sflag:$0x3] =	stream.indirect.gather [hbm4b:s3+s12], $0x10, s29, s12, $0xb8;
	[tilespmem:$0x1AA80] =	vst v63  }
0x77: {  	s14 =	simm.s32 $0x0;
	s15 =	simm.s32 $0x0  }
0x78: {  	[tilespmem:s0], [sflag:$0x3] =	stream.indirect.gather [hbm4b:s3+s12], $0x10, s31, s12, $0xb8;
	[tilespmem:$0x1AA80] =	vst v63  }
.LBB2_2:
0x79: {  	p0 =	sgt.u32 s15, $0xC  }
.Ltmp0:
0x7a: {  	s16 =	sand.u32 $0x3, s15;
	(pc) =	sbr.rel @p0 .LBB2_4-.Ltmp0, $4  }
0x7b: {  	s16 =	sadd.s32 $0x1, s16  }
0x7c: {  	_ =	swait.ge [sflag:s16], $0x6400  }
0x7d: {  	[sflag:s16] =	ssyncset.done $0x0  }
0x7e: {  	[sflag:s16] =	ssyncadd.s32 $0xFFFF9C00  }
0x7f: {  	s16 =	sadd.s32 $0x3, s15  }
0x80: {  	s18 =	sand.u32 $0x3, s16;
	s16 =	sshll.u32 s16, $0x4  }
0x81: {  	s16 =	sadd.s32 s4, s16;
	s19 =	smul.u32 $0x1A00, s18  }
0x82: {  	s16 =	smul.u32 $0xD, s16;
	_ =	sdelay $0x1  }
0x83: {  	s21 =	smul.u32 $0x19000, s18;
	s19 =	sshrl.u32 s19, $0x2;
	s16 =	sadd.s32 s5, s16  }
0x84: {  	[tilespmem:s19], [sflag:$0x5] =	stream.linear.gather [hbm4b:s16+s2], $0x680, $0x38;
	[tilespmem:$0x1AA80] =	vst v63  }
0x85: {  	_ =	swait.ge [sflag:s11], $0x680  }
0x86: {  	s16 =	sshrl.u32 s21, $0x2;
	[sflag:s11] =	ssyncset.done $0x0  }
0x87: {  	s18 =	sadd.s32 $0x1, s18;
	s20 =	sadd.s32 $0x1A00, s16;
	[sflag:s11] =	ssyncadd.s32 $0xFFFFF980  }
0x88: {  	[tilespmem:s20], [sflag:s18] =	stream.indirect.gather [hbm4b:s3+s12], $0x10, s19, s12, $0xb8;
	[tilespmem:$0x1AA80] =	vst v63  }
0x89: {  	s21 =	sor.u32 $0x68, s19;
	s22 =	sadd.s32 $0x2040, s16  }
0x8a: {  	[tilespmem:s22], [sflag:s18] =	stream.indirect.gather [hbm4b:s3+s12], $0x10, s21, s12, $0xb8;
	[tilespmem:$0x1AA80] =	vst v63  }
0x8b: {  	s25 =	sadd.s32 $0xD0, s19;
	s23 =	sadd.s32 $0x2680, s16  }
0x8c: {  	[tilespmem:s23], [sflag:s18] =	stream.indirect.gather [hbm4b:s3+s12], $0x10, s25, s12, $0xb8;
	[tilespmem:$0x1AA80] =	vst v63  }
0x8d: {  	s21 =	sadd.s32 $0x2CC0, s16;
	s22 =	sadd.s32 $0x138, s19  }
0x8e: {  	[tilespmem:s21], [sflag:s18] =	stream.indirect.gather [hbm4b:s3+s12], $0x10, s22, s12, $0xb8;
	[tilespmem:$0x1AA80] =	vst v63  }
0x8f: {  	s23 =	sadd.s32 $0x3300, s16;
	s25 =	sadd.s32 $0x1A0, s19  }
0x90: {  	[tilespmem:s23], [sflag:s18] =	stream.indirect.gather [hbm4b:s3+s12], $0x10, s25, s12, $0xb8;
	[tilespmem:$0x1AA80] =	vst v63  }
0x91: {  	s21 =	sadd.s32 $0x3940, s16;
	s22 =	sadd.s32 $0x208, s19  }
0x92: {  	[tilespmem:s21], [sflag:s18] =	stream.indirect.gather [hbm4b:s3+s12], $0x10, s22, s12, $0xb8;
	[tilespmem:$0x1AA80] =	vst v63  }
0x93: {  	s23 =	sadd.s32 $0x3F80, s16;
	s25 =	sadd.s32 $0x270, s19  }
0x94: {  	[tilespmem:s23], [sflag:s18] =	stream.indirect.gather [hbm4b:s3+s12], $0x10, s25, s12, $0xb8;
	[tilespmem:$0x1AA80] =	vst v63  }
0x95: {  	s21 =	sadd.s32 $0x45C0, s16;
	s22 =	sadd.s32 $0x2D8, s19  }
0x96: {  	[tilespmem:s21], [sflag:s18] =	stream.indirect.gather [hbm4b:s3+s12], $0x10, s22, s12, $0xb8;
	[tilespmem:$0x1AA80] =	vst v63  }
0x97: {  	s23 =	sadd.s32 $0x4C00, s16;
	s25 =	sadd.s32 $0x340, s19  }
0x98: {  	[tilespmem:s23], [sflag:s18] =	stream.indirect.gather [hbm4b:s3+s12], $0x10, s25, s12, $0xb8;
	[tilespmem:$0x1AA80] =	vst v63  }
0x99: {  	s21 =	sadd.s32 $0x5240, s16;
	s22 =	sadd.s32 $0x3A8, s19  }
0x9a: {  	[tilespmem:s21], [sflag:s18] =	stream.indirect.gather [hbm4b:s3+s12], $0x10, s22, s12, $0xb8;
	[tilespmem:$0x1AA80] =	vst v63  }
0x9b: {  	s23 =	sadd.s32 $0x5880, s16;
	s25 =	sadd.s32 $0x410, s19  }
0x9c: {  	[tilespmem:s23], [sflag:s18] =	stream.indirect.gather [hbm4b:s3+s12], $0x10, s25, s12, $0xb8;
	[tilespmem:$0x1AA80] =	vst v63  }
0x9d: {  	s21 =	sadd.s32 $0x5EC0, s16;
	s22 =	sadd.s32 $0x478, s19  }
0x9e: {  	[tilespmem:s21], [sflag:s18] =	stream.indirect.gather [hbm4b:s3+s12], $0x10, s22, s12, $0xb8;
	[tilespmem:$0x1AA80] =	vst v63  }
0x9f: {  	s23 =	sadd.s32 $0x6500, s16;
	s25 =	sadd.s32 $0x4E0, s19  }
0xa0: {  	[tilespmem:s23], [sflag:s18] =	stream.indirect.gather [hbm4b:s3+s12], $0x10, s25, s12, $0xb8;
	[tilespmem:$0x1AA80] =	vst v63  }
0xa1: {  	s21 =	sadd.s32 $0x6B40, s16;
	s22 =	sadd.s32 $0x548, s19  }
0xa2: {  	[tilespmem:s21], [sflag:s18] =	stream.indirect.gather [hbm4b:s3+s12], $0x10, s22, s12, $0xb8;
	[tilespmem:$0x1AA80] =	vst v63  }
0xa3: {  	s23 =	sadd.s32 $0x7180, s16;
	s25 =	sadd.s32 $0x5B0, s19  }
0xa4: {  	[tilespmem:s23], [sflag:s18] =	stream.indirect.gather [hbm4b:s3+s12], $0x10, s25, s12, $0xb8;
	[tilespmem:$0x1AA80] =	vst v63  }
0xa5: {  	s16 =	sadd.s32 $0x77C0, s16;
	s19 =	sadd.s32 $0x618, s19  }
0xa6: {  	[tilespmem:s16], [sflag:s18] =	stream.indirect.gather [hbm4b:s3+s12], $0x10, s19, s12, $0xb8;
	[tilespmem:$0x1AA80] =	vst v63  }
.LBB2_4:
0xa7: {  	s16 =	sand.u32 $0x3, s14  }
0xa8: {  	s16 =	smul.u32 $0x19000, s16;
	_ =	sdelay $0x1  }
0xa9: {  	s22 =	sshrl.u32 s16, $0x2  }
0xaa: {  	s16 =	sadd.s32 $0x1A40, s22  }
0xab: {  	v0 =	vmov s16;
	_ =	sdelay $0x4  }
0xac: {  	v1 =	vld.idx.msk [tilespmem:v0+s26+$0x30 ss:$0x1], $0xffff  }
0xad: {  	v3 =	vld.idx.msk [tilespmem:v0+s26+$0xFFFFFFC0 ss:$0x1], $0xffff  }
0xae: {  	v4 =	vld.idx.msk [tilespmem:v0+s26+$0xFFFFFFD0 ss:$0x1], $0xffff  }
0xaf: {  	v5 =	vld.idx.msk [tilespmem:v0+s26+$0xFFFFFFE0 ss:$0x1], $0xffff  }
0xb0: {  	v6 =	vld.idx.msk [tilespmem:v0+s26+$0xFFFFFFF0 ss:$0x1], $0xffff  }
0xb1: {  	v2 =	vimm.f32 $0.0e+00;
	v10 =	vimm.f32 $0.0e+00;
	s23 =	simm.s32 $0x80;
	s25 =	simm.s32 $0x400;
	v7 =	vld.idx.msk [tilespmem:v0+s26+$0x0 ss:$0x1], $0xffff  }
0xb2: {  	v9 =	vimm.f32 $0.0e+00;
	v13 =	vimm.f32 $0.0e+00;
	v11 =	vimm.f32 $0.0e+00;
	s18 =	sadd.s32 $0x5880, s22;
	s19 =	sadd.s32 $0x4C00, s22;
	s20 =	sadd.s32 $0x3F80, s22;
	v8 =	vld.idx.msk [tilespmem:v0+s26+$0x10 ss:$0x1], $0xffff  }
0xb3: {  	v12 =	vimm.f32 $0.0e+00;
	s21 =	sadd.s32 $0x3300, s22;
	s16 =	sadd.s32 $0x1A00, s22;
	s22 =	sadd.s32 $0x2680, s22;
	v14 =	vld.idx.msk [tilespmem:v0+s26+$0x20 ss:$0x1], $0xffff;
	v1 =	vadd.f32 v1, v2;
	v3 =	vadd.f32 v3, v2  }
.LBB2_5:
0xb4: {  	p0 =	sne.s32 s25, $0x3000;
	v15 =	vld.idx.msk [tilespmem:v0+s23+$0x30 ss:$0x1], $0xffff;
	v2 =	vadd.f32 v4, v2  }
0xb5: {  	v10 =	vadd.f32 v5, v10;
	v16 =	vld.idx.msk [tilespmem:v0+s23+$0xFFFFFFC0 ss:$0x1], $0xffff  }
0xb6: {  	v9 =	vadd.f32 v6, v9;
	v4 =	vld.idx.msk [tilespmem:v0+s23+$0xFFFFFFD0 ss:$0x1], $0xffff  }
.Ltmp1:
0xb7: {  	v13 =	vadd.f32 v7, v13;
	v5 =	vld.idx.msk [tilespmem:v0+s23+$0xFFFFFFE0 ss:$0x1], $0xffff;
	(pc) =	sbr.rel @p0 .LBB2_5-.Ltmp1, $4  }
0xb8: {  	v11 =	vadd.f32 v8, v11;
	v6 =	vld.idx.msk [tilespmem:v0+s23+$0xFFFFFFF0 ss:$0x1], $0xffff  }
0xb9: {  	v12 =	vadd.f32 v14, v12;
	v7 =	vld.idx.msk [tilespmem:v0+s23+$0x0 ss:$0x1], $0xffff  }
0xba: {  	v1 =	vadd.f32 v15, v1;
	v8 =	vld.idx.msk [tilespmem:v0+s23+$0x10 ss:$0x1], $0xffff  }
0xbb: {  	v3 =	vadd.f32 v16, v3;
	v14 =	vld.idx.msk [tilespmem:v0+s23+$0x20 ss:$0x1], $0xffff;
	s23 =	sshra.s32 s25, $0x2;
	s25 =	sadd.s32 $0x200, s25  }
0xbc: {  	_ =	sdelay $0x3  }
0xbd: {  	v15 =	vld.idx.msk [tilespmem:v0+s23+$0x30 ss:$0x1], $0xffff  }
0xbe: {  	v16 =	vld.idx.msk [tilespmem:v0+s23+$0xFFFFFFC0 ss:$0x1], $0xffff  }
0xbf: {  	v17 =	vld.idx.msk [tilespmem:v0+s23+$0xFFFFFFD0 ss:$0x1], $0xffff  }
0xc0: {  	v18 =	vld.idx.msk [tilespmem:v0+s23+$0xFFFFFFE0 ss:$0x1], $0xffff  }
0xc1: {  	v19 =	vld.idx.msk [tilespmem:v0+s23+$0xFFFFFFF0 ss:$0x1], $0xffff  }
0xc2: {  	v20 =	vld.idx.msk [tilespmem:v0+s23+$0x0 ss:$0x1], $0xffff  }
0xc3: {  	v2 =	vadd.f32 v4, v2;
	v4 =	vadd.f32 v5, v10;
	v5 =	vld.idx.msk [tilespmem:v0+s23+$0x10 ss:$0x1], $0xffff  }
0xc4: {  	v0 =	vld.idx.msk [tilespmem:v0+s23+$0x20 ss:$0x1], $0xffff;
	v6 =	vadd.f32 v6, v9;
	v7 =	vadd.f32 v7, v13  }
0xc5: {  	v8 =	vadd.f32 v8, v11;
	v9 =	vadd.f32 v14, v12  }
0xc6: {  	v1 =	vadd.f32 v15, v1;
	v3 =	vadd.f32 v16, v3  }
0xc7: {  	v2 =	vadd.f32 v17, v2;
	v4 =	vadd.f32 v18, v4  }
0xc8: {  	v6 =	vadd.f32 v19, v6;
	v7 =	vadd.f32 v20, v7  }
0xc9: {  	v5 =	vadd.f32 v5, v8;
	v0 =	vadd.f32 v0, v9  }
0xca: {  	v2 =	vadd.f32 v2, v3;
	v3 =	vadd.f32 v6, v4  }
0xcb: {  	v4 =	vadd.f32 v5, v7;
	v0 =	vadd.f32 v1, v0;
	_ =	sdelay $0x1  }
0xcc: {  	v1 =	vadd.f32 v3, v2;
	v2 =	vadd.f32 v0, v4;
	v0 =	vmov s22;
	_ =	sdelay $0x1  }
0xcd: {  	v1 =	vadd.f32 v2, v1;
	_ =	sdelay $0x1  }
0xce: {  	s25 =	simm.s32 $0x0;
	[tilespmem:$0x1AA00] =	vst v1  }
0xcf: {  	v1 =	vld.idx.msk [tilespmem:v0+s25+$0x70 ss:$0x1], $0xffff  }
0xd0: {  	v2 =	vld.idx.msk [tilespmem:v0+s25+$0x0 ss:$0x1], $0xffff  }
0xd1: {  	v4 =	vld.idx.msk [tilespmem:v0+s25+$0x10 ss:$0x1], $0xffff  }
0xd2: {  	v5 =	vld.idx.msk [tilespmem:v0+s25+$0x20 ss:$0x1], $0xffff  }
0xd3: {  	v6 =	vld.idx.msk [tilespmem:v0+s25+$0x30 ss:$0x1], $0xffff  }
0xd4: {  	v10 =	vimm.f32 $0.0e+00;
	v13 =	vimm.f32 $0.0e+00;
	v7 =	vld.idx.msk [tilespmem:v0+s25+$0x40 ss:$0x1], $0xffff  }
0xd5: {  	v11 =	vimm.f32 $0.0e+00;
	v12 =	vimm.f32 $0.0e+00;
	v3 =	vimm.f32 $0.0e+00;
	v8 =	vld.idx.msk [tilespmem:v0+s25+$0x50 ss:$0x1], $0xffff  }
0xd6: {  	s23 =	simm.s32 $0x400;
	v9 =	vimm.f32 $0.0e+00;
	s22 =	simm.s32 $0x80;
	v14 =	vld.idx.msk [tilespmem:v0+s25+$0x60 ss:$0x1], $0xffff;
	v1 =	vadd.f32 v1, v3;
	v2 =	vadd.f32 v2, v3  }
.LBB2_7:
0xd7: {  	p0 =	sne.s32 s23, $0x3000;
	v15 =	vld.idx.msk [tilespmem:v0+s22+$0x70 ss:$0x1], $0xffff;
	v3 =	vadd.f32 v4, v3  }
0xd8: {  	v10 =	vadd.f32 v5, v10;
	v16 =	vld.idx.msk [tilespmem:v0+s22+$0x0 ss:$0x1], $0xffff  }
0xd9: {  	v9 =	vadd.f32 v6, v9;
	v4 =	vld.idx.msk [tilespmem:v0+s22+$0x10 ss:$0x1], $0xffff  }
.Ltmp2:
0xda: {  	v13 =	vadd.f32 v7, v13;
	v5 =	vld.idx.msk [tilespmem:v0+s22+$0x20 ss:$0x1], $0xffff;
	(pc) =	sbr.rel @p0 .LBB2_7-.Ltmp2, $4  }
0xdb: {  	v11 =	vadd.f32 v8, v11;
	v6 =	vld.idx.msk [tilespmem:v0+s22+$0x30 ss:$0x1], $0xffff  }
0xdc: {  	v12 =	vadd.f32 v14, v12;
	v7 =	vld.idx.msk [tilespmem:v0+s22+$0x40 ss:$0x1], $0xffff  }
0xdd: {  	v1 =	vadd.f32 v15, v1;
	v8 =	vld.idx.msk [tilespmem:v0+s22+$0x50 ss:$0x1], $0xffff  }
0xde: {  	v2 =	vadd.f32 v16, v2;
	v14 =	vld.idx.msk [tilespmem:v0+s22+$0x60 ss:$0x1], $0xffff;
	s22 =	sshra.s32 s23, $0x2;
	s23 =	sadd.s32 $0x200, s23  }
0xdf: {  	_ =	sdelay $0x3  }
0xe0: {  	v15 =	vld.idx.msk [tilespmem:v0+s22+$0x70 ss:$0x1], $0xffff  }
0xe1: {  	v16 =	vld.idx.msk [tilespmem:v0+s22+$0x0 ss:$0x1], $0xffff  }
0xe2: {  	v17 =	vld.idx.msk [tilespmem:v0+s22+$0x10 ss:$0x1], $0xffff  }
0xe3: {  	v18 =	vld.idx.msk [tilespmem:v0+s22+$0x20 ss:$0x1], $0xffff  }
0xe4: {  	v19 =	vld.idx.msk [tilespmem:v0+s22+$0x30 ss:$0x1], $0xffff  }
0xe5: {  	v20 =	vld.idx.msk [tilespmem:v0+s22+$0x40 ss:$0x1], $0xffff  }
0xe6: {  	v3 =	vadd.f32 v4, v3;
	v4 =	vadd.f32 v5, v10;
	v5 =	vld.idx.msk [tilespmem:v0+s22+$0x50 ss:$0x1], $0xffff  }
0xe7: {  	v0 =	vld.idx.msk [tilespmem:v0+s22+$0x60 ss:$0x1], $0xffff;
	v6 =	vadd.f32 v6, v9;
	v7 =	vadd.f32 v7, v13  }
0xe8: {  	v8 =	vadd.f32 v8, v11;
	v9 =	vadd.f32 v14, v12  }
0xe9: {  	v1 =	vadd.f32 v15, v1;
	v2 =	vadd.f32 v16, v2  }
0xea: {  	v3 =	vadd.f32 v17, v3;
	v4 =	vadd.f32 v18, v4  }
0xeb: {  	v6 =	vadd.f32 v19, v6;
	v7 =	vadd.f32 v20, v7  }
0xec: {  	v5 =	vadd.f32 v5, v8;
	v0 =	vadd.f32 v0, v9  }
0xed: {  	v2 =	vadd.f32 v3, v2;
	v3 =	vadd.f32 v6, v4  }
0xee: {  	v4 =	vadd.f32 v5, v7;
	v0 =	vadd.f32 v1, v0;
	_ =	sdelay $0x1  }
0xef: {  	v1 =	vadd.f32 v3, v2;
	v2 =	vadd.f32 v0, v4;
	v0 =	vmov s21;
	_ =	sdelay $0x1  }
0xf0: {  	v1 =	vadd.f32 v2, v1;
	_ =	sdelay $0x1  }
0xf1: {  	s23 =	simm.s32 $0x0;
	[tilespmem:$0x1AA10] =	vst v1  }
0xf2: {  	v1 =	vld.idx.msk [tilespmem:v0+s23+$0x70 ss:$0x1], $0xffff  }
0xf3: {  	v2 =	vld.idx.msk [tilespmem:v0+s23+$0x0 ss:$0x1], $0xffff  }
0xf4: {  	v4 =	vld.idx.msk [tilespmem:v0+s23+$0x10 ss:$0x1], $0xffff  }
0xf5: {  	v5 =	vld.idx.msk [tilespmem:v0+s23+$0x20 ss:$0x1], $0xffff  }
0xf6: {  	v6 =	vld.idx.msk [tilespmem:v0+s23+$0x30 ss:$0x1], $0xffff  }
0xf7: {  	v10 =	vimm.f32 $0.0e+00;
	v13 =	vimm.f32 $0.0e+00;
	v7 =	vld.idx.msk [tilespmem:v0+s23+$0x40 ss:$0x1], $0xffff  }
0xf8: {  	v11 =	vimm.f32 $0.0e+00;
	v12 =	vimm.f32 $0.0e+00;
	v3 =	vimm.f32 $0.0e+00;
	v8 =	vld.idx.msk [tilespmem:v0+s23+$0x50 ss:$0x1], $0xffff  }
0xf9: {  	s22 =	simm.s32 $0x400;
	v9 =	vimm.f32 $0.0e+00;
	s21 =	simm.s32 $0x80;
	v14 =	vld.idx.msk [tilespmem:v0+s23+$0x60 ss:$0x1], $0xffff;
	v1 =	vadd.f32 v1, v3;
	v2 =	vadd.f32 v2, v3  }
.LBB2_9:
0xfa: {  	p0 =	sne.s32 s22, $0x3000;
	v15 =	vld.idx.msk [tilespmem:v0+s21+$0x70 ss:$0x1], $0xffff;
	v3 =	vadd.f32 v4, v3  }
0xfb: {  	v10 =	vadd.f32 v5, v10;
	v16 =	vld.idx.msk [tilespmem:v0+s21+$0x0 ss:$0x1], $0xffff  }
0xfc: {  	v9 =	vadd.f32 v6, v9;
	v4 =	vld.idx.msk [tilespmem:v0+s21+$0x10 ss:$0x1], $0xffff  }
.Ltmp3:
0xfd: {  	v13 =	vadd.f32 v7, v13;
	v5 =	vld.idx.msk [tilespmem:v0+s21+$0x20 ss:$0x1], $0xffff;
	(pc) =	sbr.rel @p0 .LBB2_9-.Ltmp3, $4  }
0xfe: {  	v11 =	vadd.f32 v8, v11;
	v6 =	vld.idx.msk [tilespmem:v0+s21+$0x30 ss:$0x1], $0xffff  }
0xff: {  	v12 =	vadd.f32 v14, v12;
	v7 =	vld.idx.msk [tilespmem:v0+s21+$0x40 ss:$0x1], $0xffff  }
0x100: {  	v1 =	vadd.f32 v15, v1;
	v8 =	vld.idx.msk [tilespmem:v0+s21+$0x50 ss:$0x1], $0xffff  }
0x101: {  	v2 =	vadd.f32 v16, v2;
	v14 =	vld.idx.msk [tilespmem:v0+s21+$0x60 ss:$0x1], $0xffff;
	s21 =	sshra.s32 s22, $0x2;
	s22 =	sadd.s32 $0x200, s22  }
0x102: {  	_ =	sdelay $0x3  }
0x103: {  	v15 =	vld.idx.msk [tilespmem:v0+s21+$0x70 ss:$0x1], $0xffff  }
0x104: {  	v16 =	vld.idx.msk [tilespmem:v0+s21+$0x0 ss:$0x1], $0xffff  }
0x105: {  	v17 =	vld.idx.msk [tilespmem:v0+s21+$0x10 ss:$0x1], $0xffff  }
0x106: {  	v18 =	vld.idx.msk [tilespmem:v0+s21+$0x20 ss:$0x1], $0xffff  }
0x107: {  	v19 =	vld.idx.msk [tilespmem:v0+s21+$0x30 ss:$0x1], $0xffff  }
0x108: {  	v20 =	vld.idx.msk [tilespmem:v0+s21+$0x40 ss:$0x1], $0xffff  }
0x109: {  	v3 =	vadd.f32 v4, v3;
	v4 =	vadd.f32 v5, v10;
	v5 =	vld.idx.msk [tilespmem:v0+s21+$0x50 ss:$0x1], $0xffff  }
0x10a: {  	v0 =	vld.idx.msk [tilespmem:v0+s21+$0x60 ss:$0x1], $0xffff;
	v6 =	vadd.f32 v6, v9;
	v7 =	vadd.f32 v7, v13  }
0x10b: {  	v8 =	vadd.f32 v8, v11;
	v9 =	vadd.f32 v14, v12  }
0x10c: {  	v1 =	vadd.f32 v15, v1;
	v2 =	vadd.f32 v16, v2  }
0x10d: {  	v3 =	vadd.f32 v17, v3;
	v4 =	vadd.f32 v18, v4  }
0x10e: {  	v6 =	vadd.f32 v19, v6;
	v7 =	vadd.f32 v20, v7  }
0x10f: {  	v5 =	vadd.f32 v5, v8;
	v0 =	vadd.f32 v0, v9  }
0x110: {  	v2 =	vadd.f32 v3, v2;
	v3 =	vadd.f32 v6, v4  }
0x111: {  	v4 =	vadd.f32 v5, v7;
	v0 =	vadd.f32 v1, v0;
	_ =	sdelay $0x1  }
0x112: {  	v1 =	vadd.f32 v3, v2;
	v2 =	vadd.f32 v0, v4;
	v0 =	vmov s20;
	_ =	sdelay $0x1  }
0x113: {  	v1 =	vadd.f32 v2, v1;
	_ =	sdelay $0x1  }
0x114: {  	s22 =	simm.s32 $0x0;
	[tilespmem:$0x1AA20] =	vst v1  }
0x115: {  	v1 =	vld.idx.msk [tilespmem:v0+s22+$0x70 ss:$0x1], $0xffff  }
0x116: {  	v2 =	vld.idx.msk [tilespmem:v0+s22+$0x0 ss:$0x1], $0xffff  }
0x117: {  	v4 =	vld.idx.msk [tilespmem:v0+s22+$0x10 ss:$0x1], $0xffff  }
0x118: {  	v5 =	vld.idx.msk [tilespmem:v0+s22+$0x20 ss:$0x1], $0xffff  }
0x119: {  	v6 =	vld.idx.msk [tilespmem:v0+s22+$0x30 ss:$0x1], $0xffff  }
0x11a: {  	v10 =	vimm.f32 $0.0e+00;
	v13 =	vimm.f32 $0.0e+00;
	v7 =	vld.idx.msk [tilespmem:v0+s22+$0x40 ss:$0x1], $0xffff  }
0x11b: {  	v11 =	vimm.f32 $0.0e+00;
	v12 =	vimm.f32 $0.0e+00;
	v3 =	vimm.f32 $0.0e+00;
	v8 =	vld.idx.msk [tilespmem:v0+s22+$0x50 ss:$0x1], $0xffff  }
0x11c: {  	s21 =	simm.s32 $0x400;
	v9 =	vimm.f32 $0.0e+00;
	s20 =	simm.s32 $0x80;
	v14 =	vld.idx.msk [tilespmem:v0+s22+$0x60 ss:$0x1], $0xffff;
	v1 =	vadd.f32 v1, v3;
	v2 =	vadd.f32 v2, v3  }
.LBB2_11:
0x11d: {  	p0 =	sne.s32 s21, $0x3000;
	v15 =	vld.idx.msk [tilespmem:v0+s20+$0x70 ss:$0x1], $0xffff;
	v3 =	vadd.f32 v4, v3  }
0x11e: {  	v10 =	vadd.f32 v5, v10;
	v16 =	vld.idx.msk [tilespmem:v0+s20+$0x0 ss:$0x1], $0xffff  }
0x11f: {  	v9 =	vadd.f32 v6, v9;
	v4 =	vld.idx.msk [tilespmem:v0+s20+$0x10 ss:$0x1], $0xffff  }
.Ltmp4:
0x120: {  	v13 =	vadd.f32 v7, v13;
	v5 =	vld.idx.msk [tilespmem:v0+s20+$0x20 ss:$0x1], $0xffff;
	(pc) =	sbr.rel @p0 .LBB2_11-.Ltmp4, $4  }
0x121: {  	v11 =	vadd.f32 v8, v11;
	v6 =	vld.idx.msk [tilespmem:v0+s20+$0x30 ss:$0x1], $0xffff  }
0x122: {  	v12 =	vadd.f32 v14, v12;
	v7 =	vld.idx.msk [tilespmem:v0+s20+$0x40 ss:$0x1], $0xffff  }
0x123: {  	v1 =	vadd.f32 v15, v1;
	v8 =	vld.idx.msk [tilespmem:v0+s20+$0x50 ss:$0x1], $0xffff  }
0x124: {  	v2 =	vadd.f32 v16, v2;
	v14 =	vld.idx.msk [tilespmem:v0+s20+$0x60 ss:$0x1], $0xffff;
	s20 =	sshra.s32 s21, $0x2;
	s21 =	sadd.s32 $0x200, s21  }
0x125: {  	_ =	sdelay $0x3  }
0x126: {  	v15 =	vld.idx.msk [tilespmem:v0+s20+$0x70 ss:$0x1], $0xffff  }
0x127: {  	v16 =	vld.idx.msk [tilespmem:v0+s20+$0x0 ss:$0x1], $0xffff  }
0x128: {  	v17 =	vld.idx.msk [tilespmem:v0+s20+$0x10 ss:$0x1], $0xffff  }
0x129: {  	v18 =	vld.idx.msk [tilespmem:v0+s20+$0x20 ss:$0x1], $0xffff  }
0x12a: {  	v19 =	vld.idx.msk [tilespmem:v0+s20+$0x30 ss:$0x1], $0xffff  }
0x12b: {  	v20 =	vld.idx.msk [tilespmem:v0+s20+$0x40 ss:$0x1], $0xffff  }
0x12c: {  	v3 =	vadd.f32 v4, v3;
	v4 =	vadd.f32 v5, v10;
	v5 =	vld.idx.msk [tilespmem:v0+s20+$0x50 ss:$0x1], $0xffff  }
0x12d: {  	v0 =	vld.idx.msk [tilespmem:v0+s20+$0x60 ss:$0x1], $0xffff;
	v6 =	vadd.f32 v6, v9;
	v7 =	vadd.f32 v7, v13  }
0x12e: {  	v8 =	vadd.f32 v8, v11;
	v9 =	vadd.f32 v14, v12  }
0x12f: {  	v1 =	vadd.f32 v15, v1;
	v2 =	vadd.f32 v16, v2  }
0x130: {  	v3 =	vadd.f32 v17, v3;
	v4 =	vadd.f32 v18, v4  }
0x131: {  	v6 =	vadd.f32 v19, v6;
	v7 =	vadd.f32 v20, v7  }
0x132: {  	v5 =	vadd.f32 v5, v8;
	v0 =	vadd.f32 v0, v9  }
0x133: {  	v2 =	vadd.f32 v3, v2;
	v3 =	vadd.f32 v6, v4  }
0x134: {  	v4 =	vadd.f32 v5, v7;
	v0 =	vadd.f32 v1, v0;
	_ =	sdelay $0x1  }
0x135: {  	v1 =	vadd.f32 v3, v2;
	v2 =	vadd.f32 v0, v4;
	v0 =	vmov s19;
	_ =	sdelay $0x1  }
0x136: {  	v1 =	vadd.f32 v2, v1;
	_ =	sdelay $0x1  }
0x137: {  	s21 =	simm.s32 $0x0;
	[tilespmem:$0x1AA30] =	vst v1  }
0x138: {  	v1 =	vld.idx.msk [tilespmem:v0+s21+$0x70 ss:$0x1], $0xffff  }
0x139: {  	v2 =	vld.idx.msk [tilespmem:v0+s21+$0x0 ss:$0x1], $0xffff  }
0x13a: {  	v4 =	vld.idx.msk [tilespmem:v0+s21+$0x10 ss:$0x1], $0xffff  }
0x13b: {  	v5 =	vld.idx.msk [tilespmem:v0+s21+$0x20 ss:$0x1], $0xffff  }
0x13c: {  	v6 =	vld.idx.msk [tilespmem:v0+s21+$0x30 ss:$0x1], $0xffff  }
0x13d: {  	v10 =	vimm.f32 $0.0e+00;
	v13 =	vimm.f32 $0.0e+00;
	v7 =	vld.idx.msk [tilespmem:v0+s21+$0x40 ss:$0x1], $0xffff  }
0x13e: {  	v11 =	vimm.f32 $0.0e+00;
	v12 =	vimm.f32 $0.0e+00;
	v3 =	vimm.f32 $0.0e+00;
	v8 =	vld.idx.msk [tilespmem:v0+s21+$0x50 ss:$0x1], $0xffff  }
0x13f: {  	s20 =	simm.s32 $0x400;
	v9 =	vimm.f32 $0.0e+00;
	s19 =	simm.s32 $0x80;
	v14 =	vld.idx.msk [tilespmem:v0+s21+$0x60 ss:$0x1], $0xffff;
	v1 =	vadd.f32 v1, v3;
	v2 =	vadd.f32 v2, v3  }
.LBB2_13:
0x140: {  	p0 =	sne.s32 s20, $0x3000;
	v15 =	vld.idx.msk [tilespmem:v0+s19+$0x70 ss:$0x1], $0xffff;
	v3 =	vadd.f32 v4, v3  }
0x141: {  	v10 =	vadd.f32 v5, v10;
	v16 =	vld.idx.msk [tilespmem:v0+s19+$0x0 ss:$0x1], $0xffff  }
0x142: {  	v9 =	vadd.f32 v6, v9;
	v4 =	vld.idx.msk [tilespmem:v0+s19+$0x10 ss:$0x1], $0xffff  }
.Ltmp5:
0x143: {  	v13 =	vadd.f32 v7, v13;
	v5 =	vld.idx.msk [tilespmem:v0+s19+$0x20 ss:$0x1], $0xffff;
	(pc) =	sbr.rel @p0 .LBB2_13-.Ltmp5, $4  }
0x144: {  	v11 =	vadd.f32 v8, v11;
	v6 =	vld.idx.msk [tilespmem:v0+s19+$0x30 ss:$0x1], $0xffff  }
0x145: {  	v12 =	vadd.f32 v14, v12;
	v7 =	vld.idx.msk [tilespmem:v0+s19+$0x40 ss:$0x1], $0xffff  }
0x146: {  	v1 =	vadd.f32 v15, v1;
	v8 =	vld.idx.msk [tilespmem:v0+s19+$0x50 ss:$0x1], $0xffff  }
0x147: {  	v2 =	vadd.f32 v16, v2;
	v14 =	vld.idx.msk [tilespmem:v0+s19+$0x60 ss:$0x1], $0xffff;
	s19 =	sshra.s32 s20, $0x2;
	s20 =	sadd.s32 $0x200, s20  }
0x148: {  	_ =	sdelay $0x3  }
0x149: {  	v15 =	vld.idx.msk [tilespmem:v0+s19+$0x70 ss:$0x1], $0xffff  }
0x14a: {  	v16 =	vld.idx.msk [tilespmem:v0+s19+$0x0 ss:$0x1], $0xffff  }
0x14b: {  	v17 =	vld.idx.msk [tilespmem:v0+s19+$0x10 ss:$0x1], $0xffff  }
0x14c: {  	v18 =	vld.idx.msk [tilespmem:v0+s19+$0x20 ss:$0x1], $0xffff  }
0x14d: {  	v19 =	vld.idx.msk [tilespmem:v0+s19+$0x30 ss:$0x1], $0xffff  }
0x14e: {  	v20 =	vld.idx.msk [tilespmem:v0+s19+$0x40 ss:$0x1], $0xffff  }
0x14f: {  	v3 =	vadd.f32 v4, v3;
	v4 =	vadd.f32 v5, v10;
	v5 =	vld.idx.msk [tilespmem:v0+s19+$0x50 ss:$0x1], $0xffff  }
0x150: {  	v0 =	vld.idx.msk [tilespmem:v0+s19+$0x60 ss:$0x1], $0xffff;
	v6 =	vadd.f32 v6, v9;
	v7 =	vadd.f32 v7, v13  }
0x151: {  	v8 =	vadd.f32 v8, v11;
	v9 =	vadd.f32 v14, v12  }
0x152: {  	v1 =	vadd.f32 v15, v1;
	v2 =	vadd.f32 v16, v2  }
0x153: {  	v3 =	vadd.f32 v17, v3;
	v4 =	vadd.f32 v18, v4  }
0x154: {  	v6 =	vadd.f32 v19, v6;
	v7 =	vadd.f32 v20, v7  }
0x155: {  	v5 =	vadd.f32 v5, v8;
	v0 =	vadd.f32 v0, v9  }
0x156: {  	v2 =	vadd.f32 v3, v2;
	v3 =	vadd.f32 v6, v4  }
0x157: {  	v4 =	vadd.f32 v5, v7;
	v0 =	vadd.f32 v1, v0;
	_ =	sdelay $0x1  }
0x158: {  	v1 =	vadd.f32 v3, v2;
	v2 =	vadd.f32 v0, v4;
	v0 =	vmov s18;
	_ =	sdelay $0x1  }
0x159: {  	v1 =	vadd.f32 v2, v1;
	_ =	sdelay $0x1  }
0x15a: {  	s20 =	simm.s32 $0x0;
	[tilespmem:$0x1AA40] =	vst v1  }
0x15b: {  	v1 =	vld.idx.msk [tilespmem:v0+s20+$0x70 ss:$0x1], $0xffff  }
0x15c: {  	v2 =	vld.idx.msk [tilespmem:v0+s20+$0x0 ss:$0x1], $0xffff  }
0x15d: {  	v4 =	vld.idx.msk [tilespmem:v0+s20+$0x10 ss:$0x1], $0xffff  }
0x15e: {  	v5 =	vld.idx.msk [tilespmem:v0+s20+$0x20 ss:$0x1], $0xffff  }
0x15f: {  	v6 =	vld.idx.msk [tilespmem:v0+s20+$0x30 ss:$0x1], $0xffff  }
0x160: {  	v10 =	vimm.f32 $0.0e+00;
	v13 =	vimm.f32 $0.0e+00;
	v7 =	vld.idx.msk [tilespmem:v0+s20+$0x40 ss:$0x1], $0xffff  }
0x161: {  	v11 =	vimm.f32 $0.0e+00;
	v12 =	vimm.f32 $0.0e+00;
	v3 =	vimm.f32 $0.0e+00;
	v8 =	vld.idx.msk [tilespmem:v0+s20+$0x50 ss:$0x1], $0xffff  }
0x162: {  	s19 =	simm.s32 $0x400;
	v9 =	vimm.f32 $0.0e+00;
	s18 =	simm.s32 $0x80;
	v14 =	vld.idx.msk [tilespmem:v0+s20+$0x60 ss:$0x1], $0xffff;
	v1 =	vadd.f32 v1, v3;
	v2 =	vadd.f32 v2, v3  }
.LBB2_15:
0x163: {  	p0 =	sne.s32 s19, $0x3000;
	v15 =	vld.idx.msk [tilespmem:v0+s18+$0x70 ss:$0x1], $0xffff;
	v3 =	vadd.f32 v4, v3  }
0x164: {  	v10 =	vadd.f32 v5, v10;
	v16 =	vld.idx.msk [tilespmem:v0+s18+$0x0 ss:$0x1], $0xffff  }
0x165: {  	v9 =	vadd.f32 v6, v9;
	v4 =	vld.idx.msk [tilespmem:v0+s18+$0x10 ss:$0x1], $0xffff  }
.Ltmp6:
0x166: {  	v13 =	vadd.f32 v7, v13;
	v5 =	vld.idx.msk [tilespmem:v0+s18+$0x20 ss:$0x1], $0xffff;
	(pc) =	sbr.rel @p0 .LBB2_15-.Ltmp6, $4  }
0x167: {  	v11 =	vadd.f32 v8, v11;
	v6 =	vld.idx.msk [tilespmem:v0+s18+$0x30 ss:$0x1], $0xffff  }
0x168: {  	v12 =	vadd.f32 v14, v12;
	v7 =	vld.idx.msk [tilespmem:v0+s18+$0x40 ss:$0x1], $0xffff  }
0x169: {  	v1 =	vadd.f32 v15, v1;
	v8 =	vld.idx.msk [tilespmem:v0+s18+$0x50 ss:$0x1], $0xffff  }
0x16a: {  	v2 =	vadd.f32 v16, v2;
	v14 =	vld.idx.msk [tilespmem:v0+s18+$0x60 ss:$0x1], $0xffff;
	s18 =	sshra.s32 s19, $0x2;
	s19 =	sadd.s32 $0x200, s19  }
0x16b: {  	_ =	sdelay $0x3  }
0x16c: {  	v15 =	vld.idx.msk [tilespmem:v0+s18+$0x70 ss:$0x1], $0xffff  }
0x16d: {  	v16 =	vld.idx.msk [tilespmem:v0+s18+$0x0 ss:$0x1], $0xffff  }
0x16e: {  	v17 =	vld.idx.msk [tilespmem:v0+s18+$0x10 ss:$0x1], $0xffff  }
0x16f: {  	v18 =	vld.idx.msk [tilespmem:v0+s18+$0x20 ss:$0x1], $0xffff  }
0x170: {  	v19 =	vld.idx.msk [tilespmem:v0+s18+$0x30 ss:$0x1], $0xffff  }
0x171: {  	v20 =	vld.idx.msk [tilespmem:v0+s18+$0x40 ss:$0x1], $0xffff  }
0x172: {  	v3 =	vadd.f32 v4, v3;
	v4 =	vadd.f32 v5, v10;
	v5 =	vld.idx.msk [tilespmem:v0+s18+$0x50 ss:$0x1], $0xffff  }
0x173: {  	v0 =	vld.idx.msk [tilespmem:v0+s18+$0x60 ss:$0x1], $0xffff;
	v6 =	vadd.f32 v6, v9;
	v7 =	vadd.f32 v7, v13  }
0x174: {  	v8 =	vadd.f32 v8, v11;
	v9 =	vadd.f32 v14, v12  }
0x175: {  	v1 =	vadd.f32 v15, v1;
	v2 =	vadd.f32 v16, v2  }
0x176: {  	v3 =	vadd.f32 v17, v3;
	v4 =	vadd.f32 v18, v4  }
0x177: {  	v6 =	vadd.f32 v19, v6;
	v7 =	vadd.f32 v20, v7  }
0x178: {  	v5 =	vadd.f32 v5, v8;
	v0 =	vadd.f32 v0, v9  }
0x179: {  	v2 =	vadd.f32 v3, v2;
	v3 =	vadd.f32 v6, v4  }
0x17a: {  	v4 =	vadd.f32 v5, v7;
	v0 =	vadd.f32 v1, v0;
	_ =	sdelay $0x1  }
0x17b: {  	v1 =	vadd.f32 v3, v2;
	v2 =	vadd.f32 v0, v4;
	v0 =	vmov s16;
	_ =	sdelay $0x1  }
0x17c: {  	v1 =	vadd.f32 v2, v1;
	_ =	sdelay $0x1  }
0x17d: {  	s19 =	simm.s32 $0x0;
	[tilespmem:$0x1AA50] =	vst v1  }
0x17e: {  	v1 =	vld.idx.msk [tilespmem:v0+s19+$0x4B70 ss:$0x1], $0xffff  }
0x17f: {  	v2 =	vld.idx.msk [tilespmem:v0+s19+$0x4B00 ss:$0x1], $0xffff  }
0x180: {  	v4 =	vld.idx.msk [tilespmem:v0+s19+$0x4B10 ss:$0x1], $0xffff  }
0x181: {  	v5 =	vld.idx.msk [tilespmem:v0+s19+$0x4B20 ss:$0x1], $0xffff  }
0x182: {  	v6 =	vld.idx.msk [tilespmem:v0+s19+$0x4B30 ss:$0x1], $0xffff  }
0x183: {  	v10 =	vimm.f32 $0.0e+00;
	v13 =	vimm.f32 $0.0e+00;
	v7 =	vld.idx.msk [tilespmem:v0+s19+$0x4B40 ss:$0x1], $0xffff  }
0x184: {  	v11 =	vimm.f32 $0.0e+00;
	v12 =	vimm.f32 $0.0e+00;
	v3 =	vimm.f32 $0.0e+00;
	v8 =	vld.idx.msk [tilespmem:v0+s19+$0x4B50 ss:$0x1], $0xffff  }
0x185: {  	s18 =	simm.s32 $0x400;
	v9 =	vimm.f32 $0.0e+00;
	s16 =	simm.s32 $0x80;
	v14 =	vld.idx.msk [tilespmem:v0+s19+$0x4B60 ss:$0x1], $0xffff;
	v1 =	vadd.f32 v1, v3;
	v2 =	vadd.f32 v2, v3  }
.LBB2_17:
0x186: {  	p0 =	sne.s32 s18, $0x3000;
	v15 =	vld.idx.msk [tilespmem:v0+s16+$0x4B70 ss:$0x1], $0xffff;
	v3 =	vadd.f32 v4, v3  }
0x187: {  	v10 =	vadd.f32 v5, v10;
	v16 =	vld.idx.msk [tilespmem:v0+s16+$0x4B00 ss:$0x1], $0xffff  }
0x188: {  	v9 =	vadd.f32 v6, v9;
	v4 =	vld.idx.msk [tilespmem:v0+s16+$0x4B10 ss:$0x1], $0xffff  }
.Ltmp7:
0x189: {  	v13 =	vadd.f32 v7, v13;
	v5 =	vld.idx.msk [tilespmem:v0+s16+$0x4B20 ss:$0x1], $0xffff;
	(pc) =	sbr.rel @p0 .LBB2_17-.Ltmp7, $4  }
0x18a: {  	v11 =	vadd.f32 v8, v11;
	v6 =	vld.idx.msk [tilespmem:v0+s16+$0x4B30 ss:$0x1], $0xffff  }
0x18b: {  	v12 =	vadd.f32 v14, v12;
	v7 =	vld.idx.msk [tilespmem:v0+s16+$0x4B40 ss:$0x1], $0xffff  }
0x18c: {  	v1 =	vadd.f32 v15, v1;
	v8 =	vld.idx.msk [tilespmem:v0+s16+$0x4B50 ss:$0x1], $0xffff  }
0x18d: {  	v2 =	vadd.f32 v16, v2;
	v14 =	vld.idx.msk [tilespmem:v0+s16+$0x4B60 ss:$0x1], $0xffff;
	s16 =	sshra.s32 s18, $0x2;
	s18 =	sadd.s32 $0x200, s18  }
0x18e: {  	_ =	sdelay $0x3  }
0x18f: {  	v15 =	vld.idx.msk [tilespmem:v0+s16+$0x4B70 ss:$0x1], $0xffff  }
0x190: {  	v16 =	vld.idx.msk [tilespmem:v0+s16+$0x4B00 ss:$0x1], $0xffff  }
0x191: {  	v17 =	vld.idx.msk [tilespmem:v0+s16+$0x4B10 ss:$0x1], $0xffff  }
0x192: {  	v18 =	vld.idx.msk [tilespmem:v0+s16+$0x4B20 ss:$0x1], $0xffff  }
0x193: {  	v19 =	vld.idx.msk [tilespmem:v0+s16+$0x4B30 ss:$0x1], $0xffff  }
0x194: {  	v20 =	vld.idx.msk [tilespmem:v0+s16+$0x4B40 ss:$0x1], $0xffff  }
0x195: {  	v3 =	vadd.f32 v4, v3;
	v4 =	vadd.f32 v5, v10;
	v5 =	vld.idx.msk [tilespmem:v0+s16+$0x4B50 ss:$0x1], $0xffff  }
0x196: {  	v6 =	vadd.f32 v6, v9;
	v9 =	vld.idx.msk [tilespmem:v0+s16+$0x4B60 ss:$0x1], $0xffff;
	v7 =	vadd.f32 v7, v13  }
0x197: {  	v8 =	vadd.f32 v8, v11;
	v10 =	vadd.f32 v14, v12  }
0x198: {  	v1 =	vadd.f32 v15, v1;
	v2 =	vadd.f32 v16, v2  }
0x199: {  	v3 =	vadd.f32 v17, v3;
	v4 =	vadd.f32 v18, v4  }
0x19a: {  	v6 =	vadd.f32 v19, v6;
	v7 =	vadd.f32 v20, v7  }
0x19b: {  	v5 =	vadd.f32 v5, v8;
	v8 =	vadd.f32 v9, v10  }
0x19c: {  	v2 =	vadd.f32 v3, v2;
	v3 =	vadd.f32 v6, v4  }
0x19d: {  	v4 =	vadd.f32 v5, v7;
	v1 =	vadd.f32 v1, v8;
	_ =	sdelay $0x1  }
0x19e: {  	v2 =	vadd.f32 v3, v2;
	v1 =	vadd.f32 v1, v4;
	_ =	sdelay $0x1  }
0x19f: {  	v1 =	vadd.f32 v1, v2;
	_ =	sdelay $0x1  }
0x1a0: {  	s19 =	simm.s32 $0x0;
	[tilespmem:$0x1AA60] =	vst v1  }
0x1a1: {  	v1 =	vld.idx.msk [tilespmem:v0+s19+$0x57F0 ss:$0x1], $0xffff  }
0x1a2: {  	v2 =	vld.idx.msk [tilespmem:v0+s19+$0x5780 ss:$0x1], $0xffff  }
0x1a3: {  	v4 =	vld.idx.msk [tilespmem:v0+s19+$0x5790 ss:$0x1], $0xffff  }
0x1a4: {  	v5 =	vld.idx.msk [tilespmem:v0+s19+$0x57A0 ss:$0x1], $0xffff  }
0x1a5: {  	v6 =	vld.idx.msk [tilespmem:v0+s19+$0x57B0 ss:$0x1], $0xffff  }
0x1a6: {  	v13 =	vimm.f32 $0.0e+00;
	v11 =	vimm.f32 $0.0e+00;
	v7 =	vld.idx.msk [tilespmem:v0+s19+$0x57C0 ss:$0x1], $0xffff  }
0x1a7: {  	v12 =	vimm.f32 $0.0e+00;
	v10 =	vimm.f32 $0.0e+00;
	v3 =	vimm.f32 $0.0e+00;
	v8 =	vld.idx.msk [tilespmem:v0+s19+$0x57D0 ss:$0x1], $0xffff  }
0x1a8: {  	s18 =	simm.s32 $0x400;
	s16 =	simm.s32 $0x80;
	v9 =	vimm.f32 $0.0e+00;
	v14 =	vld.idx.msk [tilespmem:v0+s19+$0x57E0 ss:$0x1], $0xffff;
	v1 =	vadd.f32 v1, v3;
	v2 =	vadd.f32 v2, v3  }
.LBB2_19:
0x1a9: {  	p0 =	sne.s32 s18, $0x3000;
	v15 =	vld.idx.msk [tilespmem:v0+s16+$0x57F0 ss:$0x1], $0xffff;
	v3 =	vadd.f32 v4, v3  }
0x1aa: {  	v10 =	vadd.f32 v5, v10;
	v16 =	vld.idx.msk [tilespmem:v0+s16+$0x5780 ss:$0x1], $0xffff  }
0x1ab: {  	v9 =	vadd.f32 v6, v9;
	v4 =	vld.idx.msk [tilespmem:v0+s16+$0x5790 ss:$0x1], $0xffff  }
.Ltmp8:
0x1ac: {  	v13 =	vadd.f32 v7, v13;
	v5 =	vld.idx.msk [tilespmem:v0+s16+$0x57A0 ss:$0x1], $0xffff;
	(pc) =	sbr.rel @p0 .LBB2_19-.Ltmp8, $4  }
0x1ad: {  	v11 =	vadd.f32 v8, v11;
	v6 =	vld.idx.msk [tilespmem:v0+s16+$0x57B0 ss:$0x1], $0xffff  }
0x1ae: {  	v12 =	vadd.f32 v14, v12;
	v7 =	vld.idx.msk [tilespmem:v0+s16+$0x57C0 ss:$0x1], $0xffff  }
0x1af: {  	v1 =	vadd.f32 v15, v1;
	v8 =	vld.idx.msk [tilespmem:v0+s16+$0x57D0 ss:$0x1], $0xffff  }
0x1b0: {  	v2 =	vadd.f32 v16, v2;
	v14 =	vld.idx.msk [tilespmem:v0+s16+$0x57E0 ss:$0x1], $0xffff;
	s16 =	sshra.s32 s18, $0x2;
	s18 =	sadd.s32 $0x200, s18  }
0x1b1: {  	_ =	sdelay $0x3  }
0x1b2: {  	v15 =	vld.idx.msk [tilespmem:v0+s16+$0x57F0 ss:$0x1], $0xffff  }
0x1b3: {  	v16 =	vld.idx.msk [tilespmem:v0+s16+$0x5780 ss:$0x1], $0xffff  }
0x1b4: {  	v17 =	vld.idx.msk [tilespmem:v0+s16+$0x5790 ss:$0x1], $0xffff  }
0x1b5: {  	v18 =	vld.idx.msk [tilespmem:v0+s16+$0x57A0 ss:$0x1], $0xffff  }
0x1b6: {  	v19 =	vld.idx.msk [tilespmem:v0+s16+$0x57B0 ss:$0x1], $0xffff  }
0x1b7: {  	v20 =	vld.idx.msk [tilespmem:v0+s16+$0x57C0 ss:$0x1], $0xffff  }
0x1b8: {  	v3 =	vadd.f32 v4, v3;
	v57 =	vadd.f32 v5, v10;
	v58 =	vld.idx.msk [tilespmem:v0+s16+$0x57D0 ss:$0x1], $0xffff  }
0x1b9: {  	v59 =	vld.idx.msk [tilespmem:v0+s16+$0x57E0 ss:$0x1], $0xffff;
	v6 =	vadd.f32 v6, v9;
	v7 =	vadd.f32 v7, v13  }
0x1ba: {  	v8 =	vadd.f32 v8, v11;
	v60 =	vadd.f32 v14, v12  }
0x1bb: {  	v1 =	vadd.f32 v15, v1;
	v2 =	vadd.f32 v16, v2  }
0x1bc: {  	v3 =	vadd.f32 v17, v3;
	v4 =	vadd.f32 v18, v57  }
0x1bd: {  	v6 =	vadd.f32 v19, v6;
	v7 =	vadd.f32 v20, v7  }
0x1be: {  	v5 =	vadd.f32 v58, v8;
	v0 =	vadd.f32 v59, v60  }
0x1bf: {  	v2 =	vadd.f32 v3, v2;
	v61 =	vadd.f32 v6, v4  }
0x1c0: {  	v62 =	vadd.f32 v5, v7;
	v0 =	vadd.f32 v1, v0;
	_ =	sdelay $0x1  }
0x1c1: {  	v63 =	vadd.f32 v61, v2;
	v0 =	vadd.f32 v0, v62;
	_ =	sdelay $0x1  }
0x1c2: {  	s25 =	sshll.u32 s15, $0x4;
	s15 =	sadd.s32 $0x1, s15;
	v0 =	vadd.f32 v0, v63  }
0x1c3: {  	p0 =	sne.s32 s15, $0x10  }
.Ltmp9:
0x1c4: {  	s16 =	sadd.s32 s25, s9;
	[tilespmem:$0x1AA70] =	vst v0;
	(pc) =	sbr.rel @p0 .LBB2_2-.Ltmp9, $4  }
0x1c5: {  	[hbm4b:s16+s2] =	stream.linear.scatter [tilespmem:s1], [sflag:$0x5], $0x80, $0x38;
	[tilespmem:$0x1AA80] =	vst v63  }
0x1c6: {  	_ =	swait.ge [sflag:s11], $0x80  }
0x1c7: {  	[sflag:s11] =	ssyncset.done $0x0  }
0x1c8: {  	s14 =	sadd.s32 $0x1, s14;
	[sflag:s11] =	ssyncadd.s32 $0xFFFFFF80  }
0x1c9: {  	s13 =	sadd.s32 $0x1, s13  }
0x1ca: {  	p0 =	sne.s32 s13, s10  }
.Ltmp10:
0x1cb: {  	_ = 	snop;
	(pc) =	sbr.rel @p0 .LBB2_1-.Ltmp10, $1  }
0x1cc: {  	_ =	sdelay $0x3  }
0x1cd: {  	_ =	sfence.sel $0x180000  }
0x1ce: {  	[bflag:$0x0] =	sbarrier.arrive $0xFFFF  }
0x1cf: {  	_ =	strace $0x90000047  }
0x1d0: {  	s0 =	stileid.u32;
	[bflag:$0x2] =	sbarrier.arrive $0xFFFF  }
0x1d1: {  	p0 =	sne.s32 s0, $0x0;
	s0 =	rddreg [dreg:$0x1]  }
0x1d2: {  	s0 =	sadd.s32 @!p0 $0x100000, s0  }
0x1d3: {  	[sflag:s0] =	ssyncadd.tile.s32 @!p0 $0x1;
	_ =	shalt  }
.Lfunc_end2:
_tile_overlayer_lowered:
.L_overlay_start_2:
0x1d4: {  	(tag) =	ssettag $0x2  }
0x1d5: {  	s0 =	rddreg [dreg:$0x0];
	s2 =	stileid.u32  }
0x1d6: {  	s1 =	rddreg [dreg:$0x1];
	p0 =	sne.s32 s2, $0x0  }
0x1d7: {  	s3 =	rddreg [dreg:$0x2];
	[bflag:$0x3] =	sbarrier.arrive $0xFFFF;
	s2 =	simm.s32 @!p0 $0x1C05  }
0x1d8: {  	[timem:s3], [sflag:s2] =	dma.local @!p0 [hbm:s0], s1  }
0x1d9: {  	s0 =	simm.s32 @!p0 $0x5  }
0x1da: {  	_ =	swait.ge @!p0 [sflag:s0], s1  }
0x1db: {  	s1 =	ssub.s32 @!p0 $0x0, s1;
	[sflag:s0] =	ssyncset.done @!p0 $0x0  }
0x1dc: {  	[sflag:s0] =	ssyncadd.s32 @!p0 s1  }
0x1dd: {  	[bflag:$0x3] =	sbarrier.arrive $0xFFFF  }
0x1de: {  	_ =	shalt  }

</sc_bundles>
